<compile_context>
chip_gen: v7x
topology: tpu7x:2x2x1
jax: 0.10.2.dev20260603
libtpu: 0.0.44.dev20260713+nightly
codegen_flags: <defaults>
</compile_context>

<pallas_src>
import functools

import jax
import jax.numpy as jnp
from jax import lax
from jax.experimental import pallas as pl
from jax.experimental.pallas import tpu as pltpu
from jax.experimental.pallas import tpu_sc as plsc

MAX_SEQS = 1024
MAX_TOKENS = 8192
NUM_NEW = 1024

_GROUPS = NUM_NEW // 16
_BLK_ROWS = 128
_NBLK = MAX_SEQS // _BLK_ROWS


def _sc_plan_body(num_tokens_hbm, sids_hbm, ntok_hbm, nlp_hbm,
                  cnt_out, starts_out, r8_out, cb_out, sel_out, tok_out,
                  lp_out,
                  sids_v, ntok_v, nlp_v, cnt_v, pos_v, bkt_v,
                  sr8_v, scb_v, ssel_v, stok_v, slp_v, st_v,
                  sem_a, sem_b, sem_o):
  @pl.when((lax.axis_index("c") == 0) & (lax.axis_index("s") == 0))
  def _():
    in_a = [pltpu.async_copy(sids_hbm, sids_v, sem_a),
            pltpu.async_copy(num_tokens_hbm, cnt_v, sem_a)]
    in_b = [pltpu.async_copy(ntok_hbm, ntok_v, sem_b),
            pltpu.async_copy(nlp_hbm, nlp_v, sem_b)]

    bkt_v[...] = jnp.zeros((16,), jnp.int32)
    for cp in in_a:
      cp.wait()

    @pl.loop(0, _GROUPS, unroll=4)
    def _(g):
      v = sids_v[pl.ds(g * 16, 16)]
      r, is_last = plsc.scan_count(v)
      base = plsc.load_gather(cnt_v, [v])
      pos = base + r - 1
      plsc.store_scatter(cnt_v, [v], pos + 1, mask=is_last)
      pos_v[pl.ds(g * 16, 16)] = pos

      b = lax.shift_right_logical(v, 7)
      rb, lastb = plsc.scan_count(b)
      bbase = plsc.load_gather(bkt_v, [b])
      plsc.store_scatter(bkt_v, [b], bbase + rb, mask=lastb)

    out_cnt = pltpu.async_copy(cnt_v, cnt_out, sem_o)

    counts = bkt_v[...]
    incl = plsc.cumsum(counts)
    excl = incl - counts
    lane = lax.iota(jnp.int32, 16)
    st_v[...] = jnp.where(lane >= _NBLK, NUM_NEW, excl)
    bkt_v[...] = excl
    out_st = pltpu.async_copy(st_v, starts_out, sem_o)
    for cp in in_b:
      cp.wait()

    @pl.loop(0, _GROUPS, unroll=4)
    def _(g):
      v = sids_v[pl.ds(g * 16, 16)]
      b = lax.shift_right_logical(v, 7)
      rb, lastb = plsc.scan_count(b)
      dbase = plsc.load_gather(bkt_v, [b])
      dest = dbase + rb - 1
      plsc.store_scatter(bkt_v, [b], dbase + rb, mask=lastb)

      row = jnp.bitwise_and(v, _BLK_ROWS - 1)
      pos = pos_v[pl.ds(g * 16, 16)]
      r8 = jnp.bitwise_and(row, ~7)
      cb = jnp.bitwise_and(pos, ~127)
      selid = jnp.bitwise_and(row, 7) * 128 + (pos - cb)
      plsc.store_scatter(sr8_v, [dest], r8)
      plsc.store_scatter(scb_v, [dest], cb)
      plsc.store_scatter(ssel_v, [dest], selid)
      plsc.store_scatter(stok_v, [dest], ntok_v[pl.ds(g * 16, 16)])
      plsc.store_scatter(slp_v, [dest], nlp_v[pl.ds(g * 16, 16)])

    outs = [pltpu.async_copy(sr8_v, r8_out, sem_o),
            pltpu.async_copy(scb_v, cb_out, sem_o),
            pltpu.async_copy(ssel_v, sel_out, sem_o),
            pltpu.async_copy(stok_v, tok_out, sem_o),
            pltpu.async_copy(slp_v, lp_out, sem_o)]
    out_cnt.wait()
    out_st.wait()
    for cp in outs:
      cp.wait()


def _sc_plan(num_tokens, sids, ntok, nlp):
  mesh = plsc.VectorSubcoreMesh(core_axis_name="c", subcore_axis_name="s")
  return pl.kernel(
      _sc_plan_body,
      out_type=(
          jax.ShapeDtypeStruct((MAX_SEQS,), jnp.int32),
          jax.ShapeDtypeStruct((16,), jnp.int32),
          jax.ShapeDtypeStruct((NUM_NEW,), jnp.int32),
          jax.ShapeDtypeStruct((NUM_NEW,), jnp.int32),
          jax.ShapeDtypeStruct((NUM_NEW,), jnp.int32),
          jax.ShapeDtypeStruct((NUM_NEW,), jnp.int32),
          jax.ShapeDtypeStruct((NUM_NEW,), jnp.float32),
      ),
      mesh=mesh,
      compiler_params=pltpu.CompilerParams(needs_layout_passes=False),
      scratch_types=[
          pltpu.VMEM((NUM_NEW,), jnp.int32),
          pltpu.VMEM((NUM_NEW,), jnp.int32),
          pltpu.VMEM((NUM_NEW,), jnp.float32),
          pltpu.VMEM((MAX_SEQS,), jnp.int32),
          pltpu.VMEM((NUM_NEW,), jnp.int32),
          pltpu.VMEM((16,), jnp.int32),
          pltpu.VMEM((NUM_NEW,), jnp.int32),
          pltpu.VMEM((NUM_NEW,), jnp.int32),
          pltpu.VMEM((NUM_NEW,), jnp.int32),
          pltpu.VMEM((NUM_NEW,), jnp.int32),
          pltpu.VMEM((NUM_NEW,), jnp.float32),
          pltpu.VMEM((16,), jnp.int32),
          pltpu.SemaphoreType.DMA,
          pltpu.SemaphoreType.DMA,
          pltpu.SemaphoreType.DMA,
      ],
  )(num_tokens, sids, ntok, nlp)


def _tc_apply_body(starts_ref, r8_ref, cb_ref, sel_ref, tokv_ref, lpv_ref,
                   tok_in, lp_in, tok_out, lp_out):
  b = pl.program_id(0)
  tok_out[...] = tok_in[...]
  lp_out[...] = lp_in[...]

  pid = (lax.broadcasted_iota(jnp.int32, (8, 128), 0) * 128
         + lax.broadcasted_iota(jnp.int32, (8, 128), 1))

  def body(j, _):
    r8 = pl.multiple_of(r8_ref[j], 8)
    cb = pl.multiple_of(cb_ref[j], 128)
    sel = pid == sel_ref[j]

    cur_t = tok_out[pl.ds(r8, 8), pl.ds(cb, 128)]
    tok_out[pl.ds(r8, 8), pl.ds(cb, 128)] = jnp.where(sel, tokv_ref[j], cur_t)
    cur_l = lp_out[pl.ds(r8, 8), pl.ds(cb, 128)]
    lp_out[pl.ds(r8, 8), pl.ds(cb, 128)] = jnp.where(sel, lpv_ref[j], cur_l)
    return 0

  lax.fori_loop(starts_ref[b], starts_ref[b + 1], body, 0)


def _tc_apply(starts, r8, cb, selid, tokv, lpv, tokens, logprobs):
  smem = pl.BlockSpec(memory_space=pltpu.SMEM)
  blk = pl.BlockSpec((_BLK_ROWS, MAX_TOKENS), lambda i: (i, 0))
  return pl.pallas_call(
      _tc_apply_body,
      grid=(_NBLK,),
      in_specs=[smem, smem, smem, smem, smem, smem, blk, blk],
      out_specs=[blk, blk],
      out_shape=(
          jax.ShapeDtypeStruct((MAX_SEQS, MAX_TOKENS), jnp.int32),
          jax.ShapeDtypeStruct((MAX_SEQS, MAX_TOKENS), jnp.float32),
      ),
      compiler_params=pltpu.CompilerParams(
          dimension_semantics=("arbitrary",),
      ),
  )(starts, r8, cb, selid, tokv, lpv, tokens, logprobs)


@jax.jit
def _kernel_impl(tokens, logprobs, num_tokens, local_seq_ids, new_tokens,
                 new_log_probs):
  cnt, starts, r8, cb, selid, tokv, lpv = _sc_plan(
      num_tokens, local_seq_ids, new_tokens, new_log_probs)
  tok_out, lp_out = _tc_apply(starts, r8, cb, selid, tokv, lpv, tokens,
                              logprobs)
  return tok_out, lp_out, cnt


def kernel(tokens, logprobs, num_tokens, local_seq_ids, new_tokens,
           new_log_probs, num_new_tokens):
  del num_new_tokens
  return _kernel_impl(tokens, logprobs, num_tokens, local_seq_ids, new_tokens,
                      new_log_probs)

# --- scband reference (transcript-rebuilt; emitter-appended) ---
"""Pipeline reference for scband-decode-state-50740743635584 (READ-ONLY COPY).

The authoritative reference and input builder live on the scoring server;
editing this copy changes nothing except your own understanding.
"""

import jax, jax.numpy as jnp
import numpy as np

MAX_SEQS = 1024
MAX_TOKENS = 8192
NUM_NEW = 1024
VOCAB = 32000


def setup_inputs(seed: int = 0) -> dict:
    key = jax.random.key(seed)
    k1, k2, k3, k4, k5, k6 = jax.random.split(key, 6)
    tokens = jax.random.randint(k1, (MAX_SEQS, MAX_TOKENS), 0, VOCAB, dtype=jnp.int32)
    logprobs = jax.random.normal(k2, (MAX_SEQS, MAX_TOKENS), dtype=jnp.float32)
    num_tokens = jax.random.randint(k3, (MAX_SEQS,), 0, 4096, dtype=jnp.int32)
    local_seq_ids = jax.random.randint(k4, (NUM_NEW,), 0, MAX_SEQS, dtype=jnp.int32)
    new_tokens = jax.random.randint(k5, (NUM_NEW,), 0, VOCAB, dtype=jnp.int32)
    new_log_probs = jax.random.normal(k6, (NUM_NEW,), dtype=jnp.float32)
    return {
        "tokens": tokens,
        "logprobs": logprobs,
        "num_tokens": num_tokens,
        "local_seq_ids": local_seq_ids,
        "new_tokens": new_tokens,
        "new_log_probs": new_log_probs,
        "num_new_tokens": NUM_NEW,
    }


def reference(tokens, logprobs, num_tokens, local_seq_ids, new_tokens, new_log_probs, num_new_tokens):
    """Faithful jax translation of DecodeState.update_tokens.

    For each of the `num_new_tokens` incoming tokens, scatter the token and its
    log-probability into the per-sequence ring buffers at position num_tokens[sid],
    then increment num_tokens[sid]. Invalid sequence ids (< 0) are skipped, matching
    the jax.lax.cond(is_valid(sid), ...) in the original.
    """

    def body(i, state):
        tkns, lps, cnts = state
        sid = local_seq_ids[i]

        def update(s):
            tkns_, lps_, cnts_ = s
            pos = cnts_[sid]
            tkns_ = tkns_.at[sid, pos].set(new_tokens[i])
            lps_ = lps_.at[sid, pos].set(new_log_probs[i])
            cnts_ = cnts_.at[sid].add(1)
            return (tkns_, lps_, cnts_)

        return jax.lax.cond(sid >= 0, update, lambda s: s, state)

    tokens, logprobs, num_tokens = jax.lax.fori_loop(0, num_new_tokens, body, (tokens, logprobs, num_tokens))
    return tokens, logprobs, num_tokens

if __name__ == "__main__":
    import jax
    _d = setup_inputs()
    print(jax.jit(kernel)(*tuple(_d.values())))

</pallas_src>

<mosaic_0001>
#map = affine_map<(d0, d1) -> (0)>
module attributes {stable_mosaic.version = 14 : i64} {
  func.func @_sc_plan_body(%arg0: i32, %arg1: i32, %arg2: memref<1024xi32, #tpu.memory_space<hbm>>, %arg3: memref<1024xi32, #tpu.memory_space<hbm>>, %arg4: memref<1024xi32, #tpu.memory_space<hbm>>, %arg5: memref<1024xf32, #tpu.memory_space<hbm>>, %arg6: memref<1024xi32, #tpu.memory_space<hbm>>, %arg7: memref<16xi32, #tpu.memory_space<hbm>>, %arg8: memref<1024xi32, #tpu.memory_space<hbm>>, %arg9: memref<1024xi32, #tpu.memory_space<hbm>>, %arg10: memref<1024xi32, #tpu.memory_space<hbm>>, %arg11: memref<1024xi32, #tpu.memory_space<hbm>>, %arg12: memref<1024xf32, #tpu.memory_space<hbm>>, %arg13: memref<1024xi32, #tpu.memory_space<vmem>>, %arg14: memref<1024xi32, #tpu.memory_space<vmem>>, %arg15: memref<1024xf32, #tpu.memory_space<vmem>>, %arg16: memref<1024xi32, #tpu.memory_space<vmem>>, %arg17: memref<1024xi32, #tpu.memory_space<vmem>>, %arg18: memref<16xi32, #tpu.memory_space<vmem>>, %arg19: memref<1024xi32, #tpu.memory_space<vmem>>, %arg20: memref<1024xi32, #tpu.memory_space<vmem>>, %arg21: memref<1024xi32, #tpu.memory_space<vmem>>, %arg22: memref<1024xi32, #tpu.memory_space<vmem>>, %arg23: memref<1024xf32, #tpu.memory_space<vmem>>, %arg24: memref<16xi32, #tpu.memory_space<vmem>>, %arg25: memref<!tpu.dma_semaphore, #tpu.memory_space<semaphore_mem>>, %arg26: memref<!tpu.dma_semaphore, #tpu.memory_space<semaphore_mem>>, %arg27: memref<!tpu.dma_semaphore, #tpu.memory_space<semaphore_mem>>) attributes {dimension_semantics = [#tpu.dimension_semantics<core_parallel>, #tpu.dimension_semantics<subcore_parallel>], iteration_bounds = array<i64: 2, 16>, scalar_prefetch = 0 : i64, scratch_operands = 15 : i64, tpu.core_type = #tpu.core_type<sc_vector_subcore>, window_params = [{transform_indices = #map}, {transform_indices = #map}, {transform_indices = #map}, {transform_indices = #map}, {transform_indices = #map}, {transform_indices = #map}, {transform_indices = #map}, {transform_indices = #map}, {transform_indices = #map}, {transform_indices = #map}, {transform_indices = #map}]} {
    %eq3A = arith.constant 0 : i32
    %eq3A_0 = arith.cmpi eq, %arg0, %eq3A : i32
    %eq3A_1 = arith.constant 0 : i32
    %eq3A_2 = arith.cmpi eq, %arg1, %eq3A_1 : i32
    %and3A = arith.andi %eq3A_0, %eq3A_2 : i1
    %convert_element_type3A = arith.extui %and3A : i1 to i32
    %cond3A = arith.constant 0 : i32
    %cond3A_3 = arith.cmpi ne, %convert_element_type3A, %cond3A : i32
    scf.if %cond3A_3 {
      tpu.enqueue_dma source(%arg3 : memref<1024xi32, #tpu.memory_space<hbm>>) target(%arg13 : memref<1024xi32, #tpu.memory_space<vmem>>) target_semaphore(%arg25 : memref<!tpu.dma_semaphore, #tpu.memory_space<semaphore_mem>>)
      tpu.enqueue_dma source(%arg2 : memref<1024xi32, #tpu.memory_space<hbm>>) target(%arg16 : memref<1024xi32, #tpu.memory_space<vmem>>) target_semaphore(%arg25 : memref<!tpu.dma_semaphore, #tpu.memory_space<semaphore_mem>>)
      tpu.enqueue_dma source(%arg4 : memref<1024xi32, #tpu.memory_space<hbm>>) target(%arg14 : memref<1024xi32, #tpu.memory_space<vmem>>) target_semaphore(%arg26 : memref<!tpu.dma_semaphore, #tpu.memory_space<semaphore_mem>>)
      tpu.enqueue_dma source(%arg5 : memref<1024xf32, #tpu.memory_space<hbm>>) target(%arg15 : memref<1024xf32, #tpu.memory_space<vmem>>) target_semaphore(%arg26 : memref<!tpu.dma_semaphore, #tpu.memory_space<semaphore_mem>>)
      %broadcast_in_dim3A = arith.constant 0 : i32
      %broadcast_in_dim3A_4 = vector.broadcast %broadcast_in_dim3A : i32 to vector<16xi32>
      %swap3A = arith.constant 0 : index
      %swap3A_5 = tpu.vector_load %arg18[%swap3A] {strides = array<i32>} : memref<16xi32, #tpu.memory_space<vmem>>, vector<16xi32>,
      tpu.vector_store %arg18[%swap3A], %broadcast_in_dim3A_4 {strides = array<i32>} : memref<16xi32, #tpu.memory_space<vmem>>, vector<16xi32>,
      tpu.wait_dma2 semaphore(%arg25 : memref<!tpu.dma_semaphore, #tpu.memory_space<semaphore_mem>>) src(%arg3 : memref<1024xi32, #tpu.memory_space<hbm>>) dst(%arg13 : memref<1024xi32, #tpu.memory_space<vmem>>)
      tpu.wait_dma2 semaphore(%arg25 : memref<!tpu.dma_semaphore, #tpu.memory_space<semaphore_mem>>) src(%arg2 : memref<1024xi32, #tpu.memory_space<hbm>>) dst(%arg16 : memref<1024xi32, #tpu.memory_space<vmem>>)
      %scan3A = arith.constant 0 : i32
      %scan3A_6 = arith.constant 64 : i32
      %scan3A_7 = arith.addi %scan3A, %scan3A_6 : i32
      %scan3A_8 = arith.constant 4 : i32
      scf.for %scan3A_25 = %scan3A to %scan3A_7 step %scan3A_8  : i32 {
        %mul3A = arith.constant 1 : i32
        %mul3A_26 = arith.muli %scan3A_25, %mul3A : i32
        %add3A = arith.constant 0 : i32
        %add3A_27 = arith.addi %add3A, %mul3A_26 : i32
        %mul3A_28 = arith.constant 16 : i32
        %mul3A_29 = arith.muli %add3A_27, %mul3A_28 : i32
        %get3A_30 = arith.index_cast %mul3A_29 : i32 to index
        %get3A_31 = tpu.vector_load %arg13[%get3A_30] {strides = array<i32>} : memref<1024xi32, #tpu.memory_space<vmem>>, vector<16xi32>,
        %broadcast_in_dim3A_32 = arith.constant true
        %broadcast_in_dim3A_33 = vector.broadcast %broadcast_in_dim3A_32 : i1 to vector<16xi1>
        %unique3A, %unique3A_34 = tpu.scan_count mask(%broadcast_in_dim3A_33 : vector<16xi1>) value(%get3A_31 : vector<16xi32>) : vector<16xi1>, vector<16xi32>
        %gather3A = tpu.vector_load_idx %arg16[%get3A_31] : memref<1024xi32, #tpu.memory_space<vmem>>[vector<16xi32>], vector<16xi32>,
        %add3A_35 = arith.addi %gather3A, %unique3A_34 : vector<16xi32>
        %sub3A_36 = arith.constant 1 : i32
        %sub3A_37 = vector.broadcast %sub3A_36 : i32 to vector<16xi32>
        %sub3A_38 = arith.subi %add3A_35, %sub3A_37 : vector<16xi32>
        %add3A_39 = arith.constant 1 : i32
        %add3A_40 = vector.broadcast %add3A_39 : i32 to vector<16xi32>
        %add3A_41 = arith.addi %sub3A_38, %add3A_40 : vector<16xi32>
        tpu.vector_store_idx %arg16[%get3A_31], %add3A_41 masked %unique3A : memref<1024xi32, #tpu.memory_space<vmem>>[vector<16xi32>], vector<16xi32>, vector<16xi1>
        %mul3A_42 = arith.constant 16 : i32
        %mul3A_43 = arith.muli %add3A_27, %mul3A_42 : i32
        %swap3A_44 = arith.index_cast %mul3A_43 : i32 to index
        %swap3A_45 = tpu.vector_load %arg17[%swap3A_44] {strides = array<i32>} : memref<1024xi32, #tpu.memory_space<vmem>>, vector<16xi32>,
        tpu.vector_store %arg17[%swap3A_44], %sub3A_38 {strides = array<i32>} : memref<1024xi32, #tpu.memory_space<vmem>>, vector<16xi32>,
        %shift_right_logical3A = arith.constant 7 : i32
        %shift_right_logical3A_46 = vector.broadcast %shift_right_logical3A : i32 to vector<16xi32>
        %shift_right_logical3A_47 = arith.shrui %get3A_31, %shift_right_logical3A_46 : vector<16xi32>
        %broadcast_in_dim3A_48 = arith.constant true
        %broadcast_in_dim3A_49 = vector.broadcast %broadcast_in_dim3A_48 : i1 to vector<16xi1>
        %unique3A_50, %unique3A_51 = tpu.scan_count mask(%broadcast_in_dim3A_49 : vector<16xi1>) value(%shift_right_logical3A_47 : vector<16xi32>) : vector<16xi1>, vector<16xi32>
        %gather3A_52 = tpu.vector_load_idx %arg18[%shift_right_logical3A_47] : memref<16xi32, #tpu.memory_space<vmem>>[vector<16xi32>], vector<16xi32>,
        %add3A_53 = arith.addi %gather3A_52, %unique3A_51 : vector<16xi32>
        tpu.vector_store_idx %arg18[%shift_right_logical3A_47], %add3A_53 masked %unique3A_50 : memref<16xi32, #tpu.memory_space<vmem>>[vector<16xi32>], vector<16xi32>, vector<16xi1>
        %scan3A_54 = arith.constant 1 : i32
        %scan3A_55 = arith.addi %scan3A_25, %scan3A_54 : i32
        %mul3A_56 = arith.constant 1 : i32
        %mul3A_57 = arith.muli %scan3A_55, %mul3A_56 : i32
        %add3A_58 = arith.constant 0 : i32
        %add3A_59 = arith.addi %add3A_58, %mul3A_57 : i32
        %mul3A_60 = arith.constant 16 : i32
        %mul3A_61 = arith.muli %add3A_59, %mul3A_60 : i32
        %get3A_62 = arith.index_cast %mul3A_61 : i32 to index
        %get3A_63 = tpu.vector_load %arg13[%get3A_62] {strides = array<i32>} : memref<1024xi32, #tpu.memory_space<vmem>>, vector<16xi32>,
        %broadcast_in_dim3A_64 = arith.constant true
        %broadcast_in_dim3A_65 = vector.broadcast %broadcast_in_dim3A_64 : i1 to vector<16xi1>
        %unique3A_66, %unique3A_67 = tpu.scan_count mask(%broadcast_in_dim3A_65 : vector<16xi1>) value(%get3A_63 : vector<16xi32>) : vector<16xi1>, vector<16xi32>
        %gather3A_68 = tpu.vector_load_idx %arg16[%get3A_63] : memref<1024xi32, #tpu.memory_space<vmem>>[vector<16xi32>], vector<16xi32>,
        %add3A_69 = arith.addi %gather3A_68, %unique3A_67 : vector<16xi32>
        %sub3A_70 = arith.constant 1 : i32
        %sub3A_71 = vector.broadcast %sub3A_70 : i32 to vector<16xi32>
        %sub3A_72 = arith.subi %add3A_69, %sub3A_71 : vector<16xi32>
        %add3A_73 = arith.constant 1 : i32
        %add3A_74 = vector.broadcast %add3A_73 : i32 to vector<16xi32>
        %add3A_75 = arith.addi %sub3A_72, %add3A_74 : vector<16xi32>
        tpu.vector_store_idx %arg16[%get3A_63], %add3A_75 masked %unique3A_66 : memref<1024xi32, #tpu.memory_space<vmem>>[vector<16xi32>], vector<16xi32>, vector<16xi1>
        %mul3A_76 = arith.constant 16 : i32
        %mul3A_77 = arith.muli %add3A_59, %mul3A_76 : i32
        %swap3A_78 = arith.index_cast %mul3A_77 : i32 to index
        %swap3A_79 = tpu.vector_load %arg17[%swap3A_78] {strides = array<i32>} : memref<1024xi32, #tpu.memory_space<vmem>>, vector<16xi32>,
        tpu.vector_store %arg17[%swap3A_78], %sub3A_72 {strides = array<i32>} : memref<1024xi32, #tpu.memory_space<vmem>>, vector<16xi32>,
        %shift_right_logical3A_80 = arith.constant 7 : i32
        %shift_right_logical3A_81 = vector.broadcast %shift_right_logical3A_80 : i32 to vector<16xi32>
        %shift_right_logical3A_82 = arith.shrui %get3A_63, %shift_right_logical3A_81 : vector<16xi32>
        %broadcast_in_dim3A_83 = arith.constant true
        %broadcast_in_dim3A_84 = vector.broadcast %broadcast_in_dim3A_83 : i1 to vector<16xi1>
        %unique3A_85, %unique3A_86 = tpu.scan_count mask(%broadcast_in_dim3A_84 : vector<16xi1>) value(%shift_right_logical3A_82 : vector<16xi32>) : vector<16xi1>, vector<16xi32>
        %gather3A_87 = tpu.vector_load_idx %arg18[%shift_right_logical3A_82] : memref<16xi32, #tpu.memory_space<vmem>>[vector<16xi32>], vector<16xi32>,
        %add3A_88 = arith.addi %gather3A_87, %unique3A_86 : vector<16xi32>
        tpu.vector_store_idx %arg18[%shift_right_logical3A_82], %add3A_88 masked %unique3A_85 : memref<16xi32, #tpu.memory_space<vmem>>[vector<16xi32>], vector<16xi32>, vector<16xi1>
        %scan3A_89 = arith.constant 2 : i32
        %scan3A_90 = arith.addi %scan3A_25, %scan3A_89 : i32
        %mul3A_91 = arith.constant 1 : i32
        %mul3A_92 = arith.muli %scan3A_90, %mul3A_91 : i32
        %add3A_93 = arith.constant 0 : i32
        %add3A_94 = arith.addi %add3A_93, %mul3A_92 : i32
        %mul3A_95 = arith.constant 16 : i32
        %mul3A_96 = arith.muli %add3A_94, %mul3A_95 : i32
        %get3A_97 = arith.index_cast %mul3A_96 : i32 to index
        %get3A_98 = tpu.vector_load %arg13[%get3A_97] {strides = array<i32>} : memref<1024xi32, #tpu.memory_space<vmem>>, vector<16xi32>,
        %broadcast_in_dim3A_99 = arith.constant true
        %broadcast_in_dim3A_100 = vector.broadcast %broadcast_in_dim3A_99 : i1 to vector<16xi1>
        %unique3A_101, %unique3A_102 = tpu.scan_count mask(%broadcast_in_dim3A_100 : vector<16xi1>) value(%get3A_98 : vector<16xi32>) : vector<16xi1>, vector<16xi32>
        %gather3A_103 = tpu.vector_load_idx %arg16[%get3A_98] : memref<1024xi32, #tpu.memory_space<vmem>>[vector<16xi32>], vector<16xi32>,
        %add3A_104 = arith.addi %gather3A_103, %unique3A_102 : vector<16xi32>
        %sub3A_105 = arith.constant 1 : i32
        %sub3A_106 = vector.broadcast %sub3A_105 : i32 to vector<16xi32>
        %sub3A_107 = arith.subi %add3A_104, %sub3A_106 : vector<16xi32>
        %add3A_108 = arith.constant 1 : i32
        %add3A_109 = vector.broadcast %add3A_108 : i32 to vector<16xi32>
        %add3A_110 = arith.addi %sub3A_107, %add3A_109 : vector<16xi32>
        tpu.vector_store_idx %arg16[%get3A_98], %add3A_110 masked %unique3A_101 : memref<1024xi32, #tpu.memory_space<vmem>>[vector<16xi32>], vector<16xi32>, vector<16xi1>
        %mul3A_111 = arith.constant 16 : i32
        %mul3A_112 = arith.muli %add3A_94, %mul3A_111 : i32
        %swap3A_113 = arith.index_cast %mul3A_112 : i32 to index
        %swap3A_114 = tpu.vector_load %arg17[%swap3A_113] {strides = array<i32>} : memref<1024xi32, #tpu.memory_space<vmem>>, vector<16xi32>,
        tpu.vector_store %arg17[%swap3A_113], %sub3A_107 {strides = array<i32>} : memref<1024xi32, #tpu.memory_space<vmem>>, vector<16xi32>,
        %shift_right_logical3A_115 = arith.constant 7 : i32
        %shift_right_logical3A_116 = vector.broadcast %shift_right_logical3A_115 : i32 to vector<16xi32>
        %shift_right_logical3A_117 = arith.shrui %get3A_98, %shift_right_logical3A_116 : vector<16xi32>
        %broadcast_in_dim3A_118 = arith.constant true
        %broadcast_in_dim3A_119 = vector.broadcast %broadcast_in_dim3A_118 : i1 to vector<16xi1>
        %unique3A_120, %unique3A_121 = tpu.scan_count mask(%broadcast_in_dim3A_119 : vector<16xi1>) value(%shift_right_logical3A_117 : vector<16xi32>) : vector<16xi1>, vector<16xi32>
        %gather3A_122 = tpu.vector_load_idx %arg18[%shift_right_logical3A_117] : memref<16xi32, #tpu.memory_space<vmem>>[vector<16xi32>], vector<16xi32>,
        %add3A_123 = arith.addi %gather3A_122, %unique3A_121 : vector<16xi32>
        tpu.vector_store_idx %arg18[%shift_right_logical3A_117], %add3A_123 masked %unique3A_120 : memref<16xi32, #tpu.memory_space<vmem>>[vector<16xi32>], vector<16xi32>, vector<16xi1>
        %scan3A_124 = arith.constant 3 : i32
        %scan3A_125 = arith.addi %scan3A_25, %scan3A_124 : i32
        %mul3A_126 = arith.constant 1 : i32
        %mul3A_127 = arith.muli %scan3A_125, %mul3A_126 : i32
        %add3A_128 = arith.constant 0 : i32
        %add3A_129 = arith.addi %add3A_128, %mul3A_127 : i32
        %mul3A_130 = arith.constant 16 : i32
        %mul3A_131 = arith.muli %add3A_129, %mul3A_130 : i32
        %get3A_132 = arith.index_cast %mul3A_131 : i32 to index
        %get3A_133 = tpu.vector_load %arg13[%get3A_132] {strides = array<i32>} : memref<1024xi32, #tpu.memory_space<vmem>>, vector<16xi32>,
        %broadcast_in_dim3A_134 = arith.constant true
        %broadcast_in_dim3A_135 = vector.broadcast %broadcast_in_dim3A_134 : i1 to vector<16xi1>
        %unique3A_136, %unique3A_137 = tpu.scan_count mask(%broadcast_in_dim3A_135 : vector<16xi1>) value(%get3A_133 : vector<16xi32>) : vector<16xi1>, vector<16xi32>
        %gather3A_138 = tpu.vector_load_idx %arg16[%get3A_133] : memref<1024xi32, #tpu.memory_space<vmem>>[vector<16xi32>], vector<16xi32>,
        %add3A_139 = arith.addi %gather3A_138, %unique3A_137 : vector<16xi32>
        %sub3A_140 = arith.constant 1 : i32
        %sub3A_141 = vector.broadcast %sub3A_140 : i32 to vector<16xi32>
        %sub3A_142 = arith.subi %add3A_139, %sub3A_141 : vector<16xi32>
        %add3A_143 = arith.constant 1 : i32
        %add3A_144 = vector.broadcast %add3A_143 : i32 to vector<16xi32>
        %add3A_145 = arith.addi %sub3A_142, %add3A_144 : vector<16xi32>
        tpu.vector_store_idx %arg16[%get3A_133], %add3A_145 masked %unique3A_136 : memref<1024xi32, #tpu.memory_space<vmem>>[vector<16xi32>], vector<16xi32>, vector<16xi1>
        %mul3A_146 = arith.constant 16 : i32
        %mul3A_147 = arith.muli %add3A_129, %mul3A_146 : i32
        %swap3A_148 = arith.index_cast %mul3A_147 : i32 to index
        %swap3A_149 = tpu.vector_load %arg17[%swap3A_148] {strides = array<i32>} : memref<1024xi32, #tpu.memory_space<vmem>>, vector<16xi32>,
        tpu.vector_store %arg17[%swap3A_148], %sub3A_142 {strides = array<i32>} : memref<1024xi32, #tpu.memory_space<vmem>>, vector<16xi32>,
        %shift_right_logical3A_150 = arith.constant 7 : i32
        %shift_right_logical3A_151 = vector.broadcast %shift_right_logical3A_150 : i32 to vector<16xi32>
        %shift_right_logical3A_152 = arith.shrui %get3A_133, %shift_right_logical3A_151 : vector<16xi32>
        %broadcast_in_dim3A_153 = arith.constant true
        %broadcast_in_dim3A_154 = vector.broadcast %broadcast_in_dim3A_153 : i1 to vector<16xi1>
        %unique3A_155, %unique3A_156 = tpu.scan_count mask(%broadcast_in_dim3A_154 : vector<16xi1>) value(%shift_right_logical3A_152 : vector<16xi32>) : vector<16xi1>, vector<16xi32>
        %gather3A_157 = tpu.vector_load_idx %arg18[%shift_right_logical3A_152] : memref<16xi32, #tpu.memory_space<vmem>>[vector<16xi32>], vector<16xi32>,
        %add3A_158 = arith.addi %gather3A_157, %unique3A_156 : vector<16xi32>
        tpu.vector_store_idx %arg18[%shift_right_logical3A_152], %add3A_158 masked %unique3A_155 : memref<16xi32, #tpu.memory_space<vmem>>[vector<16xi32>], vector<16xi32>, vector<16xi1>
      }
      %scan3A_9 = arith.constant 64 : i32
      tpu.enqueue_dma source(%arg16 : memref<1024xi32, #tpu.memory_space<vmem>>) target(%arg6 : memref<1024xi32, #tpu.memory_space<hbm>>) target_semaphore(%arg27 : memref<!tpu.dma_semaphore, #tpu.memory_space<semaphore_mem>>)
      %get3A = arith.constant 0 : index
      %get3A_10 = tpu.vector_load %arg18[%get3A] {strides = array<i32>} : memref<16xi32, #tpu.memory_space<vmem>>, vector<16xi32>,
      %broadcast_in_dim3A_11 = arith.constant true
      %broadcast_in_dim3A_12 = vector.broadcast %broadcast_in_dim3A_11 : i1 to vector<16xi1>
      %masked_cumsum3A = tpu.scan <sum>, %get3A_10 masked %broadcast_in_dim3A_12 : vector<16xi32>, vector<16xi1> -> vector<16xi32>
      %sub3A = arith.subi %masked_cumsum3A, %get3A_10 : vector<16xi32>
      %iota3A = tpu.iota {dimensions = array<i32: 0>} : vector<16xi32>
      %ge3A = arith.constant 8 : i32
      %ge3A_13 = vector.broadcast %ge3A : i32 to vector<16xi32>
      %ge3A_14 = arith.cmpi sge, %iota3A, %ge3A_13 : vector<16xi32>
      %jit3A = arith.constant 1024 : i32
      %broadcast_in_dim3A_15 = vector.broadcast %jit3A : i32 to vector<16xi32>
      %select_n3A = arith.select %ge3A_14, %broadcast_in_dim3A_15, %sub3A : vector<16xi1>, vector<16xi32>
      %swap3A_16 = arith.constant 0 : index
      %swap3A_17 = tpu.vector_load %arg24[%swap3A_16] {strides = array<i32>} : memref<16xi32, #tpu.memory_space<vmem>>, vector<16xi32>,
      tpu.vector_store %arg24[%swap3A_16], %select_n3A {strides = array<i32>} : memref<16xi32, #tpu.memory_space<vmem>>, vector<16xi32>,
      %swap3A_18 = arith.constant 0 : index
      %swap3A_19 = tpu.vector_load %arg18[%swap3A_18] {strides = array<i32>} : memref<16xi32, #tpu.memory_space<vmem>>, vector<16xi32>,
      tpu.vector_store %arg18[%swap3A_18], %sub3A {strides = array<i32>} : memref<16xi32, #tpu.memory_space<vmem>>, vector<16xi32>,
      tpu.enqueue_dma source(%arg24 : memref<16xi32, #tpu.memory_space<vmem>>) target(%arg7 : memref<16xi32, #tpu.memory_space<hbm>>) target_semaphore(%arg27 : memref<!tpu.dma_semaphore, #tpu.memory_space<semaphore_mem>>)
      tpu.wait_dma2 semaphore(%arg26 : memref<!tpu.dma_semaphore, #tpu.memory_space<semaphore_mem>>) src(%arg4 : memref<1024xi32, #tpu.memory_space<hbm>>) dst(%arg14 : memref<1024xi32, #tpu.memory_space<vmem>>)
      tpu.wait_dma2 semaphore(%arg26 : memref<!tpu.dma_semaphore, #tpu.memory_space<semaphore_mem>>) src(%arg5 : memref<1024xf32, #tpu.memory_space<hbm>>) dst(%arg15 : memref<1024xf32, #tpu.memory_space<vmem>>)
      %scan3A_20 = arith.constant 0 : i32
      %scan3A_21 = arith.constant 64 : i32
      %scan3A_22 = arith.addi %scan3A_20, %scan3A_21 : i32
      %scan3A_23 = arith.constant 4 : i32
      scf.for %scan3A_25 = %scan3A_20 to %scan3A_22 step %scan3A_23  : i32 {
        %mul3A = arith.constant 1 : i32
        %mul3A_26 = arith.muli %scan3A_25, %mul3A : i32
        %add3A = arith.constant 0 : i32
        %add3A_27 = arith.addi %add3A, %mul3A_26 : i32
        %mul3A_28 = arith.constant 16 : i32
        %mul3A_29 = arith.muli %add3A_27, %mul3A_28 : i32
        %get3A_30 = arith.index_cast %mul3A_29 : i32 to index
        %get3A_31 = tpu.vector_load %arg13[%get3A_30] {strides = array<i32>} : memref<1024xi32, #tpu.memory_space<vmem>>, vector<16xi32>,
        %shift_right_logical3A = arith.constant 7 : i32
        %shift_right_logical3A_32 = vector.broadcast %shift_right_logical3A : i32 to vector<16xi32>
        %shift_right_logical3A_33 = arith.shrui %get3A_31, %shift_right_logical3A_32 : vector<16xi32>
        %broadcast_in_dim3A_34 = arith.constant true
        %broadcast_in_dim3A_35 = vector.broadcast %broadcast_in_dim3A_34 : i1 to vector<16xi1>
        %unique3A, %unique3A_36 = tpu.scan_count mask(%broadcast_in_dim3A_35 : vector<16xi1>) value(%shift_right_logical3A_33 : vector<16xi32>) : vector<16xi1>, vector<16xi32>
        %gather3A = tpu.vector_load_idx %arg18[%shift_right_logical3A_33] : memref<16xi32, #tpu.memory_space<vmem>>[vector<16xi32>], vector<16xi32>,
        %add3A_37 = arith.addi %gather3A, %unique3A_36 : vector<16xi32>
        %sub3A_38 = arith.constant 1 : i32
        %sub3A_39 = vector.broadcast %sub3A_38 : i32 to vector<16xi32>
        %sub3A_40 = arith.subi %add3A_37, %sub3A_39 : vector<16xi32>
        %add3A_41 = arith.addi %gather3A, %unique3A_36 : vector<16xi32>
        tpu.vector_store_idx %arg18[%shift_right_logical3A_33], %add3A_41 masked %unique3A : memref<16xi32, #tpu.memory_space<vmem>>[vector<16xi32>], vector<16xi32>, vector<16xi1>
        %and3A_42 = arith.constant 127 : i32
        %and3A_43 = vector.broadcast %and3A_42 : i32 to vector<16xi32>
        %and3A_44 = arith.andi %get3A_31, %and3A_43 : vector<16xi32>
        %mul3A_45 = arith.constant 16 : i32
        %mul3A_46 = arith.muli %add3A_27, %mul3A_45 : i32
        %get3A_47 = arith.index_cast %mul3A_46 : i32 to index
        %get3A_48 = tpu.vector_load %arg17[%get3A_47] {strides = array<i32>} : memref<1024xi32, #tpu.memory_space<vmem>>, vector<16xi32>,
        %and3A_49 = arith.constant -8 : i32
        %and3A_50 = vector.broadcast %and3A_49 : i32 to vector<16xi32>
        %and3A_51 = arith.andi %and3A_44, %and3A_50 : vector<16xi32>
        %and3A_52 = arith.constant -128 : i32
        %and3A_53 = vector.broadcast %and3A_52 : i32 to vector<16xi32>
        %and3A_54 = arith.andi %get3A_48, %and3A_53 : vector<16xi32>
        %and3A_55 = arith.constant 7 : i32
        %and3A_56 = vector.broadcast %and3A_55 : i32 to vector<16xi32>
        %and3A_57 = arith.andi %and3A_44, %and3A_56 : vector<16xi32>
        %mul3A_58 = arith.constant 128 : i32
        %mul3A_59 = vector.broadcast %mul3A_58 : i32 to vector<16xi32>
        %mul3A_60 = arith.muli %and3A_57, %mul3A_59 : vector<16xi32>
        %sub3A_61 = arith.subi %get3A_48, %and3A_54 : vector<16xi32>
        %add3A_62 = arith.addi %mul3A_60, %sub3A_61 : vector<16xi32>
        tpu.vector_store_idx %arg19[%sub3A_40], %and3A_51 : memref<1024xi32, #tpu.memory_space<vmem>>[vector<16xi32>], vector<16xi32>,
        tpu.vector_store_idx %arg20[%sub3A_40], %and3A_54 : memref<1024xi32, #tpu.memory_space<vmem>>[vector<16xi32>], vector<16xi32>,
        tpu.vector_store_idx %arg21[%sub3A_40], %add3A_62 : memref<1024xi32, #tpu.memory_space<vmem>>[vector<16xi32>], vector<16xi32>,
        %mul3A_63 = arith.constant 16 : i32
        %mul3A_64 = arith.muli %add3A_27, %mul3A_63 : i32
        %get3A_65 = arith.index_cast %mul3A_64 : i32 to index
        %get3A_66 = tpu.vector_load %arg14[%get3A_65] {strides = array<i32>} : memref<1024xi32, #tpu.memory_space<vmem>>, vector<16xi32>,
        tpu.vector_store_idx %arg22[%sub3A_40], %get3A_66 : memref<1024xi32, #tpu.memory_space<vmem>>[vector<16xi32>], vector<16xi32>,
        %mul3A_67 = arith.constant 16 : i32
        %mul3A_68 = arith.muli %add3A_27, %mul3A_67 : i32
        %get3A_69 = arith.index_cast %mul3A_68 : i32 to index
        %get3A_70 = tpu.vector_load %arg15[%get3A_69] {strides = array<i32>} : memref<1024xf32, #tpu.memory_space<vmem>>, vector<16xf32>,
        tpu.vector_store_idx %arg23[%sub3A_40], %get3A_70 : memref<1024xf32, #tpu.memory_space<vmem>>[vector<16xi32>], vector<16xf32>,
        %scan3A_71 = arith.constant 1 : i32
        %scan3A_72 = arith.addi %scan3A_25, %scan3A_71 : i32
        %mul3A_73 = arith.constant 1 : i32
        %mul3A_74 = arith.muli %scan3A_72, %mul3A_73 : i32
        %add3A_75 = arith.constant 0 : i32
        %add3A_76 = arith.addi %add3A_75, %mul3A_74 : i32
        %mul3A_77 = arith.constant 16 : i32
        %mul3A_78 = arith.muli %add3A_76, %mul3A_77 : i32
        %get3A_79 = arith.index_cast %mul3A_78 : i32 to index
        %get3A_80 = tpu.vector_load %arg13[%get3A_79] {strides = array<i32>} : memref<1024xi32, #tpu.memory_space<vmem>>, vector<16xi32>,
        %shift_right_logical3A_81 = arith.constant 7 : i32
        %shift_right_logical3A_82 = vector.broadcast %shift_right_logical3A_81 : i32 to vector<16xi32>
        %shift_right_logical3A_83 = arith.shrui %get3A_80, %shift_right_logical3A_82 : vector<16xi32>
        %broadcast_in_dim3A_84 = arith.constant true
        %broadcast_in_dim3A_85 = vector.broadcast %broadcast_in_dim3A_84 : i1 to vector<16xi1>
        %unique3A_86, %unique3A_87 = tpu.scan_count mask(%broadcast_in_dim3A_85 : vector<16xi1>) value(%shift_right_logical3A_83 : vector<16xi32>) : vector<16xi1>, vector<16xi32>
        %gather3A_88 = tpu.vector_load_idx %arg18[%shift_right_logical3A_83] : memref<16xi32, #tpu.memory_space<vmem>>[vector<16xi32>], vector<16xi32>,
        %add3A_89 = arith.addi %gather3A_88, %unique3A_87 : vector<16xi32>
        %sub3A_90 = arith.constant 1 : i32
        %sub3A_91 = vector.broadcast %sub3A_90 : i32 to vector<16xi32>
        %sub3A_92 = arith.subi %add3A_89, %sub3A_91 : vector<16xi32>
        %add3A_93 = arith.addi %gather3A_88, %unique3A_87 : vector<16xi32>
        tpu.vector_store_idx %arg18[%shift_right_logical3A_83], %add3A_93 masked %unique3A_86 : memref<16xi32, #tpu.memory_space<vmem>>[vector<16xi32>], vector<16xi32>, vector<16xi1>
        %and3A_94 = arith.constant 127 : i32
        %and3A_95 = vector.broadcast %and3A_94 : i32 to vector<16xi32>
        %and3A_96 = arith.andi %get3A_80, %and3A_95 : vector<16xi32>
        %mul3A_97 = arith.constant 16 : i32
        %mul3A_98 = arith.muli %add3A_76, %mul3A_97 : i32
        %get3A_99 = arith.index_cast %mul3A_98 : i32 to index
        %get3A_100 = tpu.vector_load %arg17[%get3A_99] {strides = array<i32>} : memref<1024xi32, #tpu.memory_space<vmem>>, vector<16xi32>,
        %and3A_101 = arith.constant -8 : i32
        %and3A_102 = vector.broadcast %and3A_101 : i32 to vector<16xi32>
        %and3A_103 = arith.andi %and3A_96, %and3A_102 : vector<16xi32>
        %and3A_104 = arith.constant -128 : i32
        %and3A_105 = vector.broadcast %and3A_104 : i32 to vector<16xi32>
        %and3A_106 = arith.andi %get3A_100, %and3A_105 : vector<16xi32>
        %and3A_107 = arith.constant 7 : i32
        %and3A_108 = vector.broadcast %and3A_107 : i32 to vector<16xi32>
        %and3A_109 = arith.andi %and3A_96, %and3A_108 : vector<16xi32>
        %mul3A_110 = arith.constant 128 : i32
        %mul3A_111 = vector.broadcast %mul3A_110 : i32 to vector<16xi32>
        %mul3A_112 = arith.muli %and3A_109, %mul3A_111 : vector<16xi32>
        %sub3A_113 = arith.subi %get3A_100, %and3A_106 : vector<16xi32>
        %add3A_114 = arith.addi %mul3A_112, %sub3A_113 : vector<16xi32>
        tpu.vector_store_idx %arg19[%sub3A_92], %and3A_103 : memref<1024xi32, #tpu.memory_space<vmem>>[vector<16xi32>], vector<16xi32>,
        tpu.vector_store_idx %arg20[%sub3A_92], %and3A_106 : memref<1024xi32, #tpu.memory_space<vmem>>[vector<16xi32>], vector<16xi32>,
        tpu.vector_store_idx %arg21[%sub3A_92], %add3A_114 : memref<1024xi32, #tpu.memory_space<vmem>>[vector<16xi32>], vector<16xi32>,
        %mul3A_115 = arith.constant 16 : i32
        %mul3A_116 = arith.muli %add3A_76, %mul3A_115 : i32
        %get3A_117 = arith.index_cast %mul3A_116 : i32 to index
        %get3A_118 = tpu.vector_load %arg14[%get3A_117] {strides = array<i32>} : memref<1024xi32, #tpu.memory_space<vmem>>, vector<16xi32>,
        tpu.vector_store_idx %arg22[%sub3A_92], %get3A_118 : memref<1024xi32, #tpu.memory_space<vmem>>[vector<16xi32>], vector<16xi32>,
        %mul3A_119 = arith.constant 16 : i32
        %mul3A_120 = arith.muli %add3A_76, %mul3A_119 : i32
        %get3A_121 = arith.index_cast %mul3A_120 : i32 to index
        %get3A_122 = tpu.vector_load %arg15[%get3A_121] {strides = array<i32>} : memref<1024xf32, #tpu.memory_space<vmem>>, vector<16xf32>,
        tpu.vector_store_idx %arg23[%sub3A_92], %get3A_122 : memref<1024xf32, #tpu.memory_space<vmem>>[vector<16xi32>], vector<16xf32>,
        %scan3A_123 = arith.constant 2 : i32
        %scan3A_124 = arith.addi %scan3A_25, %scan3A_123 : i32
        %mul3A_125 = arith.constant 1 : i32
        %mul3A_126 = arith.muli %scan3A_124, %mul3A_125 : i32
        %add3A_127 = arith.constant 0 : i32
        %add3A_128 = arith.addi %add3A_127, %mul3A_126 : i32
        %mul3A_129 = arith.constant 16 : i32
        %mul3A_130 = arith.muli %add3A_128, %mul3A_129 : i32
        %get3A_131 = arith.index_cast %mul3A_130 : i32 to index
        %get3A_132 = tpu.vector_load %arg13[%get3A_131] {strides = array<i32>} : memref<1024xi32, #tpu.memory_space<vmem>>, vector<16xi32>,
        %shift_right_logical3A_133 = arith.constant 7 : i32
        %shift_right_logical3A_134 = vector.broadcast %shift_right_logical3A_133 : i32 to vector<16xi32>
        %shift_right_logical3A_135 = arith.shrui %get3A_132, %shift_right_logical3A_134 : vector<16xi32>
        %broadcast_in_dim3A_136 = arith.constant true
        %broadcast_in_dim3A_137 = vector.broadcast %broadcast_in_dim3A_136 : i1 to vector<16xi1>
        %unique3A_138, %unique3A_139 = tpu.scan_count mask(%broadcast_in_dim3A_137 : vector<16xi1>) value(%shift_right_logical3A_135 : vector<16xi32>) : vector<16xi1>, vector<16xi32>
        %gather3A_140 = tpu.vector_load_idx %arg18[%shift_right_logical3A_135] : memref<16xi32, #tpu.memory_space<vmem>>[vector<16xi32>], vector<16xi32>,
        %add3A_141 = arith.addi %gather3A_140, %unique3A_139 : vector<16xi32>
        %sub3A_142 = arith.constant 1 : i32
        %sub3A_143 = vector.broadcast %sub3A_142 : i32 to vector<16xi32>
        %sub3A_144 = arith.subi %add3A_141, %sub3A_143 : vector<16xi32>
        %add3A_145 = arith.addi %gather3A_140, %unique3A_139 : vector<16xi32>
        tpu.vector_store_idx %arg18[%shift_right_logical3A_135], %add3A_145 masked %unique3A_138 : memref<16xi32, #tpu.memory_space<vmem>>[vector<16xi32>], vector<16xi32>, vector<16xi1>
        %and3A_146 = arith.constant 127 : i32
        %and3A_147 = vector.broadcast %and3A_146 : i32 to vector<16xi32>
        %and3A_148 = arith.andi %get3A_132, %and3A_147 : vector<16xi32>
        %mul3A_149 = arith.constant 16 : i32
        %mul3A_150 = arith.muli %add3A_128, %mul3A_149 : i32
        %get3A_151 = arith.index_cast %mul3A_150 : i32 to index
        %get3A_152 = tpu.vector_load %arg17[%get3A_151] {strides = array<i32>} : memref<1024xi32, #tpu.memory_space<vmem>>, vector<16xi32>,
        %and3A_153 = arith.constant -8 : i32
        %and3A_154 = vector.broadcast %and3A_153 : i32 to vector<16xi32>
        %and3A_155 = arith.andi %and3A_148, %and3A_154 : vector<16xi32>
        %and3A_156 = arith.constant -128 : i32
        %and3A_157 = vector.broadcast %and3A_156 : i32 to vector<16xi32>
        %and3A_158 = arith.andi %get3A_152, %and3A_157 : vector<16xi32>
        %and3A_159 = arith.constant 7 : i32
        %and3A_160 = vector.broadcast %and3A_159 : i32 to vector<16xi32>
        %and3A_161 = arith.andi %and3A_148, %and3A_160 : vector<16xi32>
        %mul3A_162 = arith.constant 128 : i32
        %mul3A_163 = vector.broadcast %mul3A_162 : i32 to vector<16xi32>
        %mul3A_164 = arith.muli %and3A_161, %mul3A_163 : vector<16xi32>
        %sub3A_165 = arith.subi %get3A_152, %and3A_158 : vector<16xi32>
        %add3A_166 = arith.addi %mul3A_164, %sub3A_165 : vector<16xi32>
        tpu.vector_store_idx %arg19[%sub3A_144], %and3A_155 : memref<1024xi32, #tpu.memory_space<vmem>>[vector<16xi32>], vector<16xi32>,
        tpu.vector_store_idx %arg20[%sub3A_144], %and3A_158 : memref<1024xi32, #tpu.memory_space<vmem>>[vector<16xi32>], vector<16xi32>,
        tpu.vector_store_idx %arg21[%sub3A_144], %add3A_166 : memref<1024xi32, #tpu.memory_space<vmem>>[vector<16xi32>], vector<16xi32>,
        %mul3A_167 = arith.constant 16 : i32
        %mul3A_168 = arith.muli %add3A_128, %mul3A_167 : i32
        %get3A_169 = arith.index_cast %mul3A_168 : i32 to index
        %get3A_170 = tpu.vector_load %arg14[%get3A_169] {strides = array<i32>} : memref<1024xi32, #tpu.memory_space<vmem>>, vector<16xi32>,
        tpu.vector_store_idx %arg22[%sub3A_144], %get3A_170 : memref<1024xi32, #tpu.memory_space<vmem>>[vector<16xi32>], vector<16xi32>,
        %mul3A_171 = arith.constant 16 : i32
        %mul3A_172 = arith.muli %add3A_128, %mul3A_171 : i32
        %get3A_173 = arith.index_cast %mul3A_172 : i32 to index
        %get3A_174 = tpu.vector_load %arg15[%get3A_173] {strides = array<i32>} : memref<1024xf32, #tpu.memory_space<vmem>>, vector<16xf32>,
        tpu.vector_store_idx %arg23[%sub3A_144], %get3A_174 : memref<1024xf32, #tpu.memory_space<vmem>>[vector<16xi32>], vector<16xf32>,
        %scan3A_175 = arith.constant 3 : i32
        %scan3A_176 = arith.addi %scan3A_25, %scan3A_175 : i32
        %mul3A_177 = arith.constant 1 : i32
        %mul3A_178 = arith.muli %scan3A_176, %mul3A_177 : i32
        %add3A_179 = arith.constant 0 : i32
        %add3A_180 = arith.addi %add3A_179, %mul3A_178 : i32
        %mul3A_181 = arith.constant 16 : i32
        %mul3A_182 = arith.muli %add3A_180, %mul3A_181 : i32
        %get3A_183 = arith.index_cast %mul3A_182 : i32 to index
        %get3A_184 = tpu.vector_load %arg13[%get3A_183] {strides = array<i32>} : memref<1024xi32, #tpu.memory_space<vmem>>, vector<16xi32>,
        %shift_right_logical3A_185 = arith.constant 7 : i32
        %shift_right_logical3A_186 = vector.broadcast %shift_right_logical3A_185 : i32 to vector<16xi32>
        %shift_right_logical3A_187 = arith.shrui %get3A_184, %shift_right_logical3A_186 : vector<16xi32>
        %broadcast_in_dim3A_188 = arith.constant true
        %broadcast_in_dim3A_189 = vector.broadcast %broadcast_in_dim3A_188 : i1 to vector<16xi1>
        %unique3A_190, %unique3A_191 = tpu.scan_count mask(%broadcast_in_dim3A_189 : vector<16xi1>) value(%shift_right_logical3A_187 : vector<16xi32>) : vector<16xi1>, vector<16xi32>
        %gather3A_192 = tpu.vector_load_idx %arg18[%shift_right_logical3A_187] : memref<16xi32, #tpu.memory_space<vmem>>[vector<16xi32>], vector<16xi32>,
        %add3A_193 = arith.addi %gather3A_192, %unique3A_191 : vector<16xi32>
        %sub3A_194 = arith.constant 1 : i32
        %sub3A_195 = vector.broadcast %sub3A_194 : i32 to vector<16xi32>
        %sub3A_196 = arith.subi %add3A_193, %sub3A_195 : vector<16xi32>
        %add3A_197 = arith.addi %gather3A_192, %unique3A_191 : vector<16xi32>
        tpu.vector_store_idx %arg18[%shift_right_logical3A_187], %add3A_197 masked %unique3A_190 : memref<16xi32, #tpu.memory_space<vmem>>[vector<16xi32>], vector<16xi32>, vector<16xi1>
        %and3A_198 = arith.constant 127 : i32
        %and3A_199 = vector.broadcast %and3A_198 : i32 to vector<16xi32>
        %and3A_200 = arith.andi %get3A_184, %and3A_199 : vector<16xi32>
        %mul3A_201 = arith.constant 16 : i32
        %mul3A_202 = arith.muli %add3A_180, %mul3A_201 : i32
        %get3A_203 = arith.index_cast %mul3A_202 : i32 to index
        %get3A_204 = tpu.vector_load %arg17[%get3A_203] {strides = array<i32>} : memref<1024xi32, #tpu.memory_space<vmem>>, vector<16xi32>,
        %and3A_205 = arith.constant -8 : i32
        %and3A_206 = vector.broadcast %and3A_205 : i32 to vector<16xi32>
        %and3A_207 = arith.andi %and3A_200, %and3A_206 : vector<16xi32>
        %and3A_208 = arith.constant -128 : i32
        %and3A_209 = vector.broadcast %and3A_208 : i32 to vector<16xi32>
        %and3A_210 = arith.andi %get3A_204, %and3A_209 : vector<16xi32>
        %and3A_211 = arith.constant 7 : i32
        %and3A_212 = vector.broadcast %and3A_211 : i32 to vector<16xi32>
        %and3A_213 = arith.andi %and3A_200, %and3A_212 : vector<16xi32>
        %mul3A_214 = arith.constant 128 : i32
        %mul3A_215 = vector.broadcast %mul3A_214 : i32 to vector<16xi32>
        %mul3A_216 = arith.muli %and3A_213, %mul3A_215 : vector<16xi32>
        %sub3A_217 = arith.subi %get3A_204, %and3A_210 : vector<16xi32>
        %add3A_218 = arith.addi %mul3A_216, %sub3A_217 : vector<16xi32>
        tpu.vector_store_idx %arg19[%sub3A_196], %and3A_207 : memref<1024xi32, #tpu.memory_space<vmem>>[vector<16xi32>], vector<16xi32>,
        tpu.vector_store_idx %arg20[%sub3A_196], %and3A_210 : memref<1024xi32, #tpu.memory_space<vmem>>[vector<16xi32>], vector<16xi32>,
        tpu.vector_store_idx %arg21[%sub3A_196], %add3A_218 : memref<1024xi32, #tpu.memory_space<vmem>>[vector<16xi32>], vector<16xi32>,
        %mul3A_219 = arith.constant 16 : i32
        %mul3A_220 = arith.muli %add3A_180, %mul3A_219 : i32
        %get3A_221 = arith.index_cast %mul3A_220 : i32 to index
        %get3A_222 = tpu.vector_load %arg14[%get3A_221] {strides = array<i32>} : memref<1024xi32, #tpu.memory_space<vmem>>, vector<16xi32>,
        tpu.vector_store_idx %arg22[%sub3A_196], %get3A_222 : memref<1024xi32, #tpu.memory_space<vmem>>[vector<16xi32>], vector<16xi32>,
        %mul3A_223 = arith.constant 16 : i32
        %mul3A_224 = arith.muli %add3A_180, %mul3A_223 : i32
        %get3A_225 = arith.index_cast %mul3A_224 : i32 to index
        %get3A_226 = tpu.vector_load %arg15[%get3A_225] {strides = array<i32>} : memref<1024xf32, #tpu.memory_space<vmem>>, vector<16xf32>,
        tpu.vector_store_idx %arg23[%sub3A_196], %get3A_226 : memref<1024xf32, #tpu.memory_space<vmem>>[vector<16xi32>], vector<16xf32>,
      }
      %scan3A_24 = arith.constant 64 : i32
      tpu.enqueue_dma source(%arg19 : memref<1024xi32, #tpu.memory_space<vmem>>) target(%arg8 : memref<1024xi32, #tpu.memory_space<hbm>>) target_semaphore(%arg27 : memref<!tpu.dma_semaphore, #tpu.memory_space<semaphore_mem>>)
      tpu.enqueue_dma source(%arg20 : memref<1024xi32, #tpu.memory_space<vmem>>) target(%arg9 : memref<1024xi32, #tpu.memory_space<hbm>>) target_semaphore(%arg27 : memref<!tpu.dma_semaphore, #tpu.memory_space<semaphore_mem>>)
      tpu.enqueue_dma source(%arg21 : memref<1024xi32, #tpu.memory_space<vmem>>) target(%arg10 : memref<1024xi32, #tpu.memory_space<hbm>>) target_semaphore(%arg27 : memref<!tpu.dma_semaphore, #tpu.memory_space<semaphore_mem>>)
      tpu.enqueue_dma source(%arg22 : memref<1024xi32, #tpu.memory_space<vmem>>) target(%arg11 : memref<1024xi32, #tpu.memory_space<hbm>>) target_semaphore(%arg27 : memref<!tpu.dma_semaphore, #tpu.memory_space<semaphore_mem>>)
      tpu.enqueue_dma source(%arg23 : memref<1024xf32, #tpu.memory_space<vmem>>) target(%arg12 : memref<1024xf32, #tpu.memory_space<hbm>>) target_semaphore(%arg27 : memref<!tpu.dma_semaphore, #tpu.memory_space<semaphore_mem>>)
      tpu.wait_dma2 semaphore(%arg27 : memref<!tpu.dma_semaphore, #tpu.memory_space<semaphore_mem>>) src(%arg16 : memref<1024xi32, #tpu.memory_space<vmem>>) dst(%arg6 : memref<1024xi32, #tpu.memory_space<hbm>>)
      tpu.wait_dma2 semaphore(%arg27 : memref<!tpu.dma_semaphore, #tpu.memory_space<semaphore_mem>>) src(%arg24 : memref<16xi32, #tpu.memory_space<vmem>>) dst(%arg7 : memref<16xi32, #tpu.memory_space<hbm>>)
      tpu.wait_dma2 semaphore(%arg27 : memref<!tpu.dma_semaphore, #tpu.memory_space<semaphore_mem>>) src(%arg19 : memref<1024xi32, #tpu.memory_space<vmem>>) dst(%arg8 : memref<1024xi32, #tpu.memory_space<hbm>>)
      tpu.wait_dma2 semaphore(%arg27 : memref<!tpu.dma_semaphore, #tpu.memory_space<semaphore_mem>>) src(%arg20 : memref<1024xi32, #tpu.memory_space<vmem>>) dst(%arg9 : memref<1024xi32, #tpu.memory_space<hbm>>)
      tpu.wait_dma2 semaphore(%arg27 : memref<!tpu.dma_semaphore, #tpu.memory_space<semaphore_mem>>) src(%arg21 : memref<1024xi32, #tpu.memory_space<vmem>>) dst(%arg10 : memref<1024xi32, #tpu.memory_space<hbm>>)
      tpu.wait_dma2 semaphore(%arg27 : memref<!tpu.dma_semaphore, #tpu.memory_space<semaphore_mem>>) src(%arg22 : memref<1024xi32, #tpu.memory_space<vmem>>) dst(%arg11 : memref<1024xi32, #tpu.memory_space<hbm>>)
      tpu.wait_dma2 semaphore(%arg27 : memref<!tpu.dma_semaphore, #tpu.memory_space<semaphore_mem>>) src(%arg23 : memref<1024xf32, #tpu.memory_space<vmem>>) dst(%arg12 : memref<1024xf32, #tpu.memory_space<hbm>>)
    } else {
    }
    return
  }
}

module attributes {stable_mosaic.version = 14 : i64} {
  func.func @_tc_apply_body(%arg0: i32, %arg1: memref<16xi32, #tpu.memory_space<smem>>, %arg2: memref<1024xi32, #tpu.memory_space<smem>>, %arg3: memref<1024xi32, #tpu.memory_space<smem>>, %arg4: memref<1024xi32, #tpu.memory_space<smem>>, %arg5: memref<1024xi32, #tpu.memory_space<smem>>, %arg6: memref<1024xf32, #tpu.memory_space<smem>>, %arg7: memref<128x8192xi32, #tpu.memory_space<vmem>>, %arg8: memref<128x8192xf32, #tpu.memory_space<vmem>>, %arg9: memref<128x8192xi32, #tpu.memory_space<vmem>>, %arg10: memref<128x8192xf32, #tpu.memory_space<vmem>>) attributes {dimension_semantics = [#tpu.dimension_semantics<arbitrary>], iteration_bounds = array<i64: 8>, scalar_prefetch = 0 : i64, scratch_operands = 0 : i64, tpu.core_type = #tpu.core_type<tc>, window_params = [{transform_indices = @transform_0, window_bounds = array<i64: 16>}, {transform_indices = @transform_1, window_bounds = array<i64: 1024>}, {transform_indices = @transform_2, window_bounds = array<i64: 1024>}, {transform_indices = @transform_3, window_bounds = array<i64: 1024>}, {transform_indices = @transform_4, window_bounds = array<i64: 1024>}, {transform_indices = @transform_5, window_bounds = array<i64: 1024>}, {transform_indices = @transform_6, window_bounds = array<i64: 128, 8192>}, {transform_indices = @transform_7, window_bounds = array<i64: 128, 8192>}, {transform_indices = @transform_8, window_bounds = array<i64: 128, 8192>}, {transform_indices = @transform_9, window_bounds = array<i64: 128, 8192>}]} {
    %get3A = arith.constant 0 : index
    %get3A_0 = arith.constant 0 : index
    %get3A_1 = vector.load %arg7[%get3A, %get3A_0] : memref<128x8192xi32, #tpu.memory_space<vmem>>, vector<128x8192xi32>
    %swap3A = arith.constant 0 : index
    %swap3A_2 = arith.constant 0 : index
    %swap3A_3 = vector.load %arg9[%swap3A, %swap3A_2] : memref<128x8192xi32, #tpu.memory_space<vmem>>, vector<128x8192xi32>
    tpu.vector_store %arg9[%swap3A, %swap3A_2], %get3A_1 {strides = array<i32>} : memref<128x8192xi32, #tpu.memory_space<vmem>>, vector<128x8192xi32>,
    %get3A_4 = arith.constant 0 : index
    %get3A_5 = arith.constant 0 : index
    %get3A_6 = vector.load %arg8[%get3A_4, %get3A_5] : memref<128x8192xf32, #tpu.memory_space<vmem>>, vector<128x8192xf32>
    %swap3A_7 = arith.constant 0 : index
    %swap3A_8 = arith.constant 0 : index
    %swap3A_9 = vector.load %arg10[%swap3A_7, %swap3A_8] : memref<128x8192xf32, #tpu.memory_space<vmem>>, vector<128x8192xf32>
    tpu.vector_store %arg10[%swap3A_7, %swap3A_8], %get3A_6 {strides = array<i32>} : memref<128x8192xf32, #tpu.memory_space<vmem>>, vector<128x8192xf32>,
    %iota3A = tpu.iota {dimensions = array<i32: 0>} : vector<8x128xi32>
    %mul3A = arith.constant 128 : i32
    %mul3A_10 = vector.broadcast %mul3A : i32 to vector<8x128xi32>
    %mul3A_11 = arith.muli %iota3A, %mul3A_10 : vector<8x128xi32>
    %iota3A_12 = tpu.iota {dimensions = array<i32: 1>} : vector<8x128xi32>
    %add3A = arith.addi %mul3A_11, %iota3A_12 : vector<8x128xi32>
    %get3A_13 = arith.index_cast %arg0 : i32 to index
    %get3A_14 = memref.load %arg1[%get3A_13] : memref<16xi32, #tpu.memory_space<smem>>
    %add3A_15 = arith.constant 1 : i32
    %add3A_16 = arith.addi %arg0, %add3A_15 : i32
    %get3A_17 = arith.index_cast %add3A_16 : i32 to index
    %get3A_18 = memref.load %arg1[%get3A_17] : memref<16xi32, #tpu.memory_space<smem>>
    %while3A = arith.constant 0 : i32
    %while3A_19 = arith.subi %get3A_18, %get3A_14 : i32
    %while3A_20 = arith.addi %get3A_14, %while3A_19 : i32
    %while3A_21 = arith.constant 1 : i32
    %while3A_22 = arith.divsi %while3A_19, %while3A_21 : i32
    %while3A_23 = arith.muli %while3A_22, %while3A_21 : i32
    %while3A_24 = arith.addi %get3A_14, %while3A_23 : i32
    %while3A_25 = arith.constant 1 : i32
    %while3A_26 = scf.for %while3A_29 = %get3A_14 to %while3A_24 step %while3A_25 iter_args(%while3A_30 = %while3A) -> (i32)  : i32 {
      %get3A_31 = arith.index_cast %while3A_29 : i32 to index
      %get3A_32 = memref.load %arg2[%get3A_31] : memref<1024xi32, #tpu.memory_space<smem>>
      %multiple_of3A = tpu.assume_multiple %get3A_32, 8 : i32
      %get3A_33 = arith.index_cast %while3A_29 : i32 to index
      %get3A_34 = memref.load %arg3[%get3A_33] : memref<1024xi32, #tpu.memory_space<smem>>
      %multiple_of3A_35 = tpu.assume_multiple %get3A_34, 128 : i32
      %get3A_36 = arith.index_cast %while3A_29 : i32 to index
      %get3A_37 = memref.load %arg4[%get3A_36] : memref<1024xi32, #tpu.memory_space<smem>>
      %eq3A = vector.broadcast %get3A_37 : i32 to vector<8x128xi32>
      %eq3A_38 = arith.cmpi eq, %add3A, %eq3A : vector<8x128xi32>
      %get3A_39 = arith.index_cast %multiple_of3A : i32 to index
      %get3A_40 = arith.index_cast %multiple_of3A_35 : i32 to index
      %get3A_41 = vector.load %arg9[%get3A_39, %get3A_40] : memref<128x8192xi32, #tpu.memory_space<vmem>>, vector<8x128xi32>
      %get3A_42 = arith.index_cast %while3A_29 : i32 to index
      %get3A_43 = memref.load %arg5[%get3A_42] : memref<1024xi32, #tpu.memory_space<smem>>
      %broadcast_in_dim3A = vector.broadcast %get3A_43 : i32 to vector<8x128xi32>
      %select_n3A = arith.select %eq3A_38, %broadcast_in_dim3A, %get3A_41 : vector<8x128xi1>, vector<8x128xi32>
      %swap3A_44 = arith.index_cast %multiple_of3A : i32 to index
      %swap3A_45 = arith.index_cast %multiple_of3A_35 : i32 to index
      %swap3A_46 = vector.load %arg9[%swap3A_44, %swap3A_45] : memref<128x8192xi32, #tpu.memory_space<vmem>>, vector<8x128xi32>
      tpu.vector_store %arg9[%swap3A_44, %swap3A_45], %select_n3A {strides = array<i32>} : memref<128x8192xi32, #tpu.memory_space<vmem>>, vector<8x128xi32>,
      %get3A_47 = arith.index_cast %multiple_of3A : i32 to index
      %get3A_48 = arith.index_cast %multiple_of3A_35 : i32 to index
      %get3A_49 = vector.load %arg10[%get3A_47, %get3A_48] : memref<128x8192xf32, #tpu.memory_space<vmem>>, vector<8x128xf32>
      %get3A_50 = arith.index_cast %while3A_29 : i32 to index
      %get3A_51 = memref.load %arg6[%get3A_50] : memref<1024xf32, #tpu.memory_space<smem>>
      %broadcast_in_dim3A_52 = vector.broadcast %get3A_51 : f32 to vector<8x128xf32>
      %select_n3A_53 = arith.select %eq3A_38, %broadcast_in_dim3A_52, %get3A_49 : vector<8x128xi1>, vector<8x128xf32>
      %swap3A_54 = arith.index_cast %multiple_of3A : i32 to index
      %swap3A_55 = arith.index_cast %multiple_of3A_35 : i32 to index
      %swap3A_56 = vector.load %arg10[%swap3A_54, %swap3A_55] : memref<128x8192xf32, #tpu.memory_space<vmem>>, vector<8x128xf32>
      tpu.vector_store %arg10[%swap3A_54, %swap3A_55], %select_n3A_53 {strides = array<i32>} : memref<128x8192xf32, #tpu.memory_space<vmem>>, vector<8x128xf32>,
      %while3A_57 = arith.constant 0 : i32
      scf.yield %while3A_57 : i32
    }
    %while3A_27 = arith.constant 1 : i32
    %while3A_28 = scf.for %while3A_29 = %while3A_24 to %while3A_20 step %while3A_27 iter_args(%while3A_30 = %while3A_26) -> (i32)  : i32 {
      %get3A_31 = arith.index_cast %while3A_29 : i32 to index
      %get3A_32 = memref.load %arg2[%get3A_31] : memref<1024xi32, #tpu.memory_space<smem>>
      %multiple_of3A = tpu.assume_multiple %get3A_32, 8 : i32
      %get3A_33 = arith.index_cast %while3A_29 : i32 to index
      %get3A_34 = memref.load %arg3[%get3A_33] : memref<1024xi32, #tpu.memory_space<smem>>
      %multiple_of3A_35 = tpu.assume_multiple %get3A_34, 128 : i32
      %get3A_36 = arith.index_cast %while3A_29 : i32 to index
      %get3A_37 = memref.load %arg4[%get3A_36] : memref<1024xi32, #tpu.memory_space<smem>>
      %eq3A = vector.broadcast %get3A_37 : i32 to vector<8x128xi32>
      %eq3A_38 = arith.cmpi eq, %add3A, %eq3A : vector<8x128xi32>
      %get3A_39 = arith.index_cast %multiple_of3A : i32 to index
      %get3A_40 = arith.index_cast %multiple_of3A_35 : i32 to index
      %get3A_41 = vector.load %arg9[%get3A_39, %get3A_40] : memref<128x8192xi32, #tpu.memory_space<vmem>>, vector<8x128xi32>
      %get3A_42 = arith.index_cast %while3A_29 : i32 to index
      %get3A_43 = memref.load %arg5[%get3A_42] : memref<1024xi32, #tpu.memory_space<smem>>
      %broadcast_in_dim3A = vector.broadcast %get3A_43 : i32 to vector<8x128xi32>
      %select_n3A = arith.select %eq3A_38, %broadcast_in_dim3A, %get3A_41 : vector<8x128xi1>, vector<8x128xi32>
      %swap3A_44 = arith.index_cast %multiple_of3A : i32 to index
      %swap3A_45 = arith.index_cast %multiple_of3A_35 : i32 to index
      %swap3A_46 = vector.load %arg9[%swap3A_44, %swap3A_45] : memref<128x8192xi32, #tpu.memory_space<vmem>>, vector<8x128xi32>
      tpu.vector_store %arg9[%swap3A_44, %swap3A_45], %select_n3A {strides = array<i32>} : memref<128x8192xi32, #tpu.memory_space<vmem>>, vector<8x128xi32>,
      %get3A_47 = arith.index_cast %multiple_of3A : i32 to index
      %get3A_48 = arith.index_cast %multiple_of3A_35 : i32 to index
      %get3A_49 = vector.load %arg10[%get3A_47, %get3A_48] : memref<128x8192xf32, #tpu.memory_space<vmem>>, vector<8x128xf32>
      %get3A_50 = arith.index_cast %while3A_29 : i32 to index
      %get3A_51 = memref.load %arg6[%get3A_50] : memref<1024xf32, #tpu.memory_space<smem>>
      %broadcast_in_dim3A_52 = vector.broadcast %get3A_51 : f32 to vector<8x128xf32>
      %select_n3A_53 = arith.select %eq3A_38, %broadcast_in_dim3A_52, %get3A_49 : vector<8x128xi1>, vector<8x128xf32>
      %swap3A_54 = arith.index_cast %multiple_of3A : i32 to index
      %swap3A_55 = arith.index_cast %multiple_of3A_35 : i32 to index
      %swap3A_56 = vector.load %arg10[%swap3A_54, %swap3A_55] : memref<128x8192xf32, #tpu.memory_space<vmem>>, vector<8x128xf32>
      tpu.vector_store %arg10[%swap3A_54, %swap3A_55], %select_n3A_53 {strides = array<i32>} : memref<128x8192xf32, #tpu.memory_space<vmem>>, vector<8x128xf32>,
      %while3A_57 = arith.constant 0 : i32
      scf.yield %while3A_57 : i32
    }
    return
  }
  func.func @transform_0(%arg0: i32) -> i32 {
    %c0_i32 = arith.constant 0 : i32
    %c0_i32_0 = arith.constant 0 : i32
    return %c0_i32 : i32
  }
  func.func @transform_1(%arg0: i32) -> i32 {
    %c0_i32 = arith.constant 0 : i32
    %c0_i32_0 = arith.constant 0 : i32
    return %c0_i32 : i32
  }
  func.func @transform_2(%arg0: i32) -> i32 {
    %c0_i32 = arith.constant 0 : i32
    %c0_i32_0 = arith.constant 0 : i32
    return %c0_i32 : i32
  }
  func.func @transform_3(%arg0: i32) -> i32 {
    %c0_i32 = arith.constant 0 : i32
    %c0_i32_0 = arith.constant 0 : i32
    return %c0_i32 : i32
  }
  func.func @transform_4(%arg0: i32) -> i32 {
    %c0_i32 = arith.constant 0 : i32
    %c0_i32_0 = arith.constant 0 : i32
    return %c0_i32 : i32
  }
  func.func @transform_5(%arg0: i32) -> i32 {
    %c0_i32 = arith.constant 0 : i32
    %c0_i32_0 = arith.constant 0 : i32
    return %c0_i32 : i32
  }
  func.func @transform_6(%arg0: i32) -> (i32, i32) {
    %c0_i32 = arith.constant 0 : i32
    %c0_i32_0 = arith.constant 0 : i32
    return %arg0, %c0_i32 : i32, i32
  }
  func.func @transform_7(%arg0: i32) -> (i32, i32) {
    %c0_i32 = arith.constant 0 : i32
    %c0_i32_0 = arith.constant 0 : i32
    return %arg0, %c0_i32 : i32, i32
  }
  func.func @transform_8(%arg0: i32) -> (i32, i32) {
    %c0_i32 = arith.constant 0 : i32
    %c0_i32_0 = arith.constant 0 : i32
    return %arg0, %c0_i32 : i32, i32
  }
  func.func @transform_9(%arg0: i32) -> (i32, i32) {
    %c0_i32 = arith.constant 0 : i32
    %c0_i32_0 = arith.constant 0 : i32
    return %arg0, %c0_i32 : i32, i32
  }
}

</mosaic_0001>

<sc_bundles>
// kernel: _kernel_impl.4.cloned.1.call-start
scs
__scs_entry_jumppad:
0x0: {  	(pc) =	sbr.rel $0x88, $3  }
0x1: {  	(tag) =	ssettag $0x0;
	lr =	simm.s32 $0x1  }
0x2: {  	[smem:$0x3F9B] =	sst lr;
	_ =	strace $0xD0000000  }
0x3: {  	_ = 	snop  }
0x4: {  	_ = 	snop  }
0x5: {  	_ = 	snop  }
0x6: {  	_ = 	snop  }
0x7: {  	_ = 	snop  }
__scs_overlays_trampoline_lowered:
0x8: {  	[smem:$0x3FAA] =	sst s0  }
0x9: {  	[smem:$0x3FAB] =	sst s1  }
0xa: {  	[smem:$0x3FAC] =	sst s2  }
0xb: {  	[smem:$0x3FAD] =	sst s3  }
0xc: {  	[smem:$0x3FAE] =	sst s4  }
0xd: {  	[smem:$0x3FAF] =	sst s5  }
0xe: {  	[smem:$0x3FB0] =	sst s6  }
0xf: {  	[smem:$0x3FB1] =	sst s7  }
0x10: {  	[smem:$0x3FB2] =	sst s8  }
0x11: {  	[smem:$0x3FB3] =	sst s9;
	s0 =	simm.s32 @!p0 $0x0  }
0x12: {  	s1 =	sld [smem:$0x3F99];
	s0 =	simm.s32 @p0 $0x1  }
0x13: {  	[smem:$0x3FB4] =	sst s0;
	s0 =	simm.s32 @!p1 $0x0  }
0x14: {  	s2 =	sld [smem:$0x3F98];
	s0 =	simm.s32 @p1 $0x1  }
0x15: {  	[smem:$0x3FB5] =	sst s0;
	s0 =	simm.s32 @!p2 $0x0  }
0x16: {  	s3 =	sld [smem:$0x3FDB];
	s0 =	simm.s32 @p2 $0x1  }
0x17: {  	s4 =	simm.s32 $0x1BF5;
	[smem:$0x3FB7] =	sst s0  }
0x18: {  	s0 =	sld [smem:$0x3F9A];
	_ =	swait.ge [sflag:s4], $0x0  }
0x19: {  	s7 =	sld [smem:$0x3F9B]  }
0x1a: {  	s8 =	sadd.s32 $0xFFFFE003, lr  }
0x1b: {  	s9 =	sadd.s32 $0xFFFFFEF7, lr;
	s5 =	simm.s32 $0xFFFFFFFF;
	p2 =	slt.u32 s8, $0xFFFFF086  }
0x1c: {  	p1 =	slt.u32 s9, $0xF7A;
	s5 =	simm.s32 @!p2 $0x0  }
0x1d: {  	s5 =	simm.s32 @p1 $0x1;
	p0 =	seq.s32 s7, s2  }
0x1e: {  	s7 =	smul.u32 @!p0 $0xF7A, s2;
	p2 =	seq.s32 @!p0 s5, $0x0  }
0x1f: {  	s9 =	smul.u32 $0xF7A, s1;
	s8 =	simm.s32 @!p0 $0x1BF5;
	p2 =	por !p2, p0  }
0x20: {  	[sflag:s8] =	ssyncset.s32 @!p0 $0xFFFFF086;
	s6 =	sadd.s32 @!p0 s3, s7;
	s7 =	simm.s32 @!p0 $0x108  }
0x21: {  	s3 =	sadd.s32 s3, s9;
	s6 =	sadd.s32 @!p0 $0x88, s6;
	s7 =	simm.s32 @p2 $0x1082  }
0x22: {  	[simem:s7], [sflag:s8] =	dma.local @!p0 [hbm:s6], $0xF7A  }
0x23: {  	s9 =	sor.u32 $0xD0000000, s2;
	s6 =	simm.s32 $0x108;
	_ =	swait.ge @!p0 [sflag:s8], $0x0  }
0x24: {  	s3 =	sadd.s32 $0x88, s3;
	s6 =	simm.s32 @!p1 $0x1082;
	[sflag:s4] =	ssyncset.s32 $0xFFFFF086  }
0x25: {  	[simem:s6], [sflag:s4] =	dma.local [hbm:s3], $0xF7A  }
0x26: {  	[smem:$0x3F9B] =	sst s1;
	(tag) =	ssettag s2;
	_ =	strace s9  }
0x27: {  	s1 =	sld [smem:$0x3FAB]  }
0x28: {  	s2 =	sld [smem:$0x3FAC]  }
0x29: {  	s4 =	sld [smem:$0x3FAE]  }
0x2a: {  	p0 =	seq.s32 s5, $0x0;
	s5 =	sld [smem:$0x3FAF]  }
0x2b: {  	s6 =	sld [smem:$0x3FB0]  }
0x2c: {  	s7 =	sld [smem:$0x3FB1]  }
0x2d: {  	s3 =	simm.s32 $0x108;
	s8 =	sld [smem:$0x3FB2]  }
0x2e: {  	s3 =	simm.s32 @!p0 $0x1082;
	s9 =	sld [smem:$0x3FB3]  }
0x2f: {  	lr =	sadd.s32 s0, s3;
	s0 =	sld [smem:$0x3FAA]  }
0x30: {  	s3 =	sld [smem:$0x3FAD]  }
0x31: {  	[smem:$0x3FB6] =	sst s10  }
0x32: {  	s10 =	sld [smem:$0x3FB4];
	_ =	sdelay $0x3  }
0x33: {  	p0 =	seq.s32 s10, $0x1;
	s10 =	sld [smem:$0x3FB6];
	_ =	sdelay $0x3  }
0x34: {  	[smem:$0x3FB6] =	sst s10  }
0x35: {  	s10 =	sld [smem:$0x3FB5];
	_ =	sdelay $0x3  }
0x36: {  	p1 =	seq.s32 s10, $0x1;
	s10 =	sld [smem:$0x3FB6];
	_ =	sdelay $0x3  }
0x37: {  	[smem:$0x3FB6] =	sst s10  }
0x38: {  	s10 =	sld [smem:$0x3FB7]  }
0x39: {  	_ = 	snop;
	(pc) =	sbr.ind lr, $3  }
0x3a: {  	_ = 	snop  }
0x3b: {  	_ = 	snop  }
0x3c: {  	p2 =	seq.s32 s10, $0x1;
	s10 =	sld [smem:$0x3FB6]  }
0x3d: {  	_ =	shalt  }
0x3e: {  	_ =	shalt  }
0x3f: {  	_ =	shalt  }
0x40: {  	_ =	shalt  }
0x41: {  	_ =	shalt  }
0x42: {  	_ =	shalt  }
0x43: {  	_ =	shalt  }
0x44: {  	_ =	shalt  }
0x45: {  	_ =	shalt  }
0x46: {  	_ =	shalt  }
0x47: {  	_ =	shalt  }
0x48: {  	_ =	shalt  }
0x49: {  	_ =	shalt  }
0x4a: {  	_ =	shalt  }
0x4b: {  	_ =	shalt  }
0x4c: {  	_ =	shalt  }
0x4d: {  	_ =	shalt  }
0x4e: {  	_ =	shalt  }
0x4f: {  	_ =	shalt  }
0x50: {  	_ =	shalt  }
0x51: {  	_ =	shalt  }
0x52: {  	_ =	shalt  }
0x53: {  	_ =	shalt  }
0x54: {  	_ =	shalt  }
0x55: {  	_ =	shalt  }
0x56: {  	_ =	shalt  }
0x57: {  	_ =	shalt  }
0x58: {  	_ =	shalt  }
0x59: {  	_ =	shalt  }
0x5a: {  	_ =	shalt  }
0x5b: {  	_ =	shalt  }
0x5c: {  	_ =	shalt  }
0x5d: {  	_ =	shalt  }
0x5e: {  	_ =	shalt  }
0x5f: {  	_ =	shalt  }
0x60: {  	_ =	shalt  }
0x61: {  	_ =	shalt  }
0x62: {  	_ =	shalt  }
0x63: {  	_ =	shalt  }
0x64: {  	_ =	shalt  }
0x65: {  	_ =	shalt  }
0x66: {  	_ =	shalt  }
0x67: {  	_ =	shalt  }
0x68: {  	_ =	shalt  }
0x69: {  	_ =	shalt  }
0x6a: {  	_ =	shalt  }
0x6b: {  	_ =	shalt  }
0x6c: {  	_ =	shalt  }
0x6d: {  	_ =	shalt  }
0x6e: {  	_ =	shalt  }
0x6f: {  	_ =	shalt  }
0x70: {  	_ =	shalt  }
0x71: {  	_ =	shalt  }
0x72: {  	_ =	shalt  }
0x73: {  	_ =	shalt  }
0x74: {  	_ =	shalt  }
0x75: {  	_ =	shalt  }
0x76: {  	_ =	shalt  }
0x77: {  	_ =	shalt  }
0x78: {  	_ =	shalt  }
0x79: {  	_ =	shalt  }
0x7a: {  	_ =	shalt  }
0x7b: {  	_ =	shalt  }
0x7c: {  	_ =	shalt  }
0x7d: {  	_ =	shalt  }
0x7e: {  	_ =	shalt  }
0x7f: {  	_ =	shalt  }
0x80: {  	_ =	shalt  }
0x81: {  	_ =	shalt  }
0x82: {  	_ =	shalt  }
0x83: {  	_ =	shalt  }
0x84: {  	_ =	shalt  }
0x85: {  	_ =	shalt  }
0x86: {  	_ =	shalt  }
0x87: {  	_ =	shalt  }
.Lfunc_end0:
.L_simem_size_0:
called_computation_lowered:
.L_overlay_start_0:
0x88: {  	s2 =	sld [smem:$0x3FD9]  }
0x89: {  	s3 =	sld [smem:$0x3FFE];
	_ =	sdelay $0x1  }
0x8a: {  	s1 =	srdreg.scid  }
0x8b: {  	s0 =	sand.u32 $0x1, s1  }
0x8c: {  	s14 =	sshll.u32 s0, $0xA;
	s2 =	sadd.s32 s3, s2  }
0x8d: {  	s2 =	sadd.s32 s2, s14  }
0x8e: {  	[smem:$0x3FC2] =	sst s2  }
0x8f: {  	_ = 	snop  }
0x90: {  	s2 =	sld [smem:$0x3FC7]  }
0x91: {  	s15 =	sld [smem:$0x3FD0]  }
0x92: {  	s4 =	sld [smem:$0x3FC6]  }
0x93: {  	s5 =	sld [smem:$0x3FC5]  }
0x94: {  	s7 =	simm.s32 $0xA;
	s8 =	simm.s32 $0x10;
	s6 =	sld [smem:$0x3FC4]  }
0x95: {  	[smem:s8], [sflag:s7] =	dma.local [hbm:s15], $0x1  }
0x96: {  	_ =	swait.eq [sflag:s7], $0x1  }
0x97: {  	s16 =	sld [smem:$0x10];
	[sflag:s7] =	ssyncset.done $0x0  }
0x98: {  	s17 =	sld [smem:$0x11];
	[sflag:s7] =	ssyncadd.s32 $0xFFFFFFFF  }
0x99: {  	s18 =	sld [smem:$0x12];
	(tm) =	ssettm $0x1  }
0x9a: {  	s9 =	sld [smem:$0x3FFB];
	_ =	sdelay $0x3  }
0x9b: {  	_ =	strace s9  }
0x9c: {  	s9 =	sld [smem:$0x3FFC];
	_ =	sdelay $0x3  }
0x9d: {  	_ =	strace s9  }
0x9e: {  	s9 =	sld [smem:$0x3FFD];
	_ =	sdelay $0x3  }
0x9f: {  	_ =	strace s9  }
0xa0: {  	_ =	strace $0x8FFFFFFF  }
0xa1: {  	s19 =	sld [smem:$0x3FDB];
	_ =	sdelay $0x1  }
0xa2: {  	s10 =	simm.s32 $_scs_section_size  }
0xa3: {  	s11 =	simm.s32 $_size__tile_overlayer_lowered;
	s12 =	simm.s32 $_tile_overlayer_lowered  }
0xa4: {  	s22 =	simm.s32 $0x1BFF;
	s21 =	sshll.u32 s12, $0x1;
	s9 =	sadd.s32 s10, s19  }
0xa5: {  	s13 =	simm.s32 $0x0;
	s20 =	sshll.u32 s11, $0x1;
	s11 =	sadd.s32 s21, s9  }
0xa6: {  	[timem:s13], [sflag:s22] =	dma.local [hbm:s11], s20  }
0xa7: {  	_ =	swait.ge [sflag:s22], s20  }
0xa8: {  	s10 =	ssub.s32 $0x0, s20;
	[sflag:s22] =	ssyncset.done $0x0  }
0xa9: {  	[sflag:s22] =	ssyncadd.s32 s10;
	_ =	sdelay $0x1  }
0xaa: {  	s23 =	simm.s32 $0x1B8B  }
0xab: {  	_ =	swait.ge [sflag:s23], $0x1  }
0xac: {  	[sflag:s23] =	ssyncset.done $0x0  }
0xad: {  	s25 =	simm.s32 $0x1B8E;
	s24 =	sld [smem:$0x3FFE];
	[sflag:s23] =	ssyncadd.s32 $0xFFFFFFFF  }
0xae: {  	s26 =	simm.s32 $execute0_lowered;
	[smem:$0x3FD2] =	sst s25  }
0xaf: {  	s11 =	sshll.u32 s26, $0x1;
	_ =	strace $0x80000046;
	[dreg:$0x1] =	wrdreg $0xFFFFFFFF  }
0xb0: {  	s28 =	simm.s32 $_size_execute0_lowered;
	s9 =	sadd.s32 s9, s11;
	[dreg:$0x0] =	wrdreg $0x0  }
0xb1: {  	s11 =	sshll.u32 s28, $0x1;
	[dreg:$0x2] =	wrdreg s9  }
0xb2: {  	[dreg:$0x3] =	wrdreg s11  }
0xb3: {  	[dreg:$0x4] =	wrdreg $0xC0  }
0xb4: {  	_ =	task [dreg:s13], $0x5FFFF  }
0xb5: {  	[dreg:$0x1] =	wrdreg $0xFFFFFFFF  }
0xb6: {  	[dreg:$0x0] =	wrdreg $0x60  }
0xb7: {  	[dreg:$0x2] =	wrdreg s2  }
0xb8: {  	[dreg:$0x3] =	wrdreg s4  }
0xb9: {  	[dreg:$0x4] =	wrdreg s5  }
0xba: {  	[dreg:$0x5] =	wrdreg s6  }
0xbb: {  	[dreg:$0x6] =	wrdreg s18  }
0xbc: {  	[dreg:$0x7] =	wrdreg s24  }
0xbd: {  	[dreg:$0x8] =	wrdreg s17  }
0xbe: {  	[dreg:$0x9] =	wrdreg s16  }
0xbf: {  	[dreg:$0xa] =	wrdreg $0x9  }
0xc0: {  	_ =	task.clear_ibuf [dreg:s13], $0xBFFFF;
	_ =	strace $0x90000046  }
0xc1: {  	s29 =	simm.s32 $0x9;
	_ =	strace $0x80000048  }
0xc2: {  	_ =	swait.ge [sflag:s29], $0x1  }
0xc3: {  	[sflag:s29] =	ssyncadd.s32 $0xFFFFFFFF  }
0xc4: {  	_ =	strace $0x90000048  }
0xc5: {  	_ =	sfence  }
0xc6: {  	s30 =	sld [smem:$0x0];
	_ =	sdelay $0x2  }
0xc7: {  	s31 =	sshll.u32 s1, $0xD;
	s1 =	sshrl.u32 s1, $0x2  }
0xc8: {  	s3 =	sand.u32 $0x4000, s31;
	s1 =	sadd.s32 s1, s30  }
0xc9: {  	s0 =	sor.u32 s3, s0;
	s1 =	sshll.u32 s1, $0x11  }
0xca: {  	s0 =	sor.u32 s1, s0  }
0xcb: {  	s0 =	sadd.s32 $0x8F2B, s0  }
0xcc: {  	[sflag:s0] =	ssyncadd.remote.s32 $0x1  }
0xcd: {  	_ =	sfence.sel $0xFFFF  }
0xce: {  	[dreg:$0x0] =	wrdreg $0xFFFFFFFF;
	(pc) =	sbr.abs _section_cstart, $3  }
0xcf: {  	[dreg:$0x1] =	wrdreg $0xFFFFFFFF  }
0xd0: {  	_ =	task.clear_ibuf [dreg:s13], $0x2FFFF;
	_ =	strace $0x9FFFFFFF  }
0xd1: {  	(tm) =	ssettm $0x7FFFFFFF  }
tec
execute0_lowered:
.L_overlay_start_1:
0x0: {  	(tag) =	ssettag $0x1  }
0x1: {  	s5 =	srdreg.scid  }
0x2: {  	s6 =	stileid.u32;
	s5 =	sand.u32 $0x1, s5  }
0x3: {  	s1 =	rddreg [dreg:$0x1];
	s6 =	sor.u32 s6, s5  }
0x4: {  	s2 =	rddreg [dreg:$0x2];
	p0 =	sne.s32 s6, $0x0  }
.Ltmp0:
0x5: {  	s3 =	rddreg [dreg:$0x3];
	(pc) =	sbr.rel @p0 .LBB2_7-.Ltmp0, $4  }
0x6: {  	s4 =	rddreg [dreg:$0x4]  }
0x7: {  	s0 =	rddreg [dreg:$0x5]  }
0x8: {  	s7 =	rddreg [dreg:$0x6]  }
0x9: {  	s8 =	rddreg [dreg:$0x7];
	_ =	strace $0x80000047  }
0xa: {  	s5 =	ssub.s32 $0x2, s5  }
0xb: {  	s9 =	sadd.s32 $0x1C00, s0;
	s10 =	sadd.s32 $0x1600, s0;
	s11 =	sadd.s32 $0x1800, s0  }
0xc: {  	s12 =	sadd.s32 $0x1A00, s0;
	s14 =	simm.s32 $0x0;
	s15 =	simm.s32 $0xC00  }
0xd: {  	s16 =	simm.s32 $0x400;
	s17 =	simm.s32 $0x800;
	s18 =	simm.s32 $0x1  }
0xe: {  	s19 =	simm.s32 $0x1400;
	s20 =	simm.s32 $0x2880;
	s21 =	simm.s32 $0x2  }
0xf: {  	s22 =	simm.s32 $0x1480;
	s23 =	simm.s32 $0x1880;
	s24 =	simm.s32 $0x1C80  }
0x10: {  	s25 =	simm.s32 $0x2080;
	s26 =	simm.s32 $0x2480;
	s6 =	sshrl.u32 s5, $0x1  }
0x11: {  	v0 =	vimm.s32 $0x0;
	vm0 =	vmmov $0xff;
	s28 =	simm.s32 $0x3;
	s29 =	simm.s32 $0x0;
	s13 =	ssub.s32 s5, s6  }
.LBB2_2:
0x12: {  	[tilespmem:s14], [sflag:$0x1] =	stream.linear.gather [hbm4b:s1+s14], $0x400, $0x38;
	[tilespmem:$0x2900] =	vst v63  }
0x13: {  	s0 =	rddreg [dreg:$0x0]  }
0x14: {  	[tilespmem:s15], [sflag:$0x1] =	stream.linear.gather [hbm4b:s0+s14], $0x400, $0x38;
	[tilespmem:$0x2900] =	vst v63  }
0x15: {  	_ = 	snop  }
0x16: {  	[tilespmem:s16], [sflag:$0x2] =	stream.linear.gather [hbm4b:s2+s14], $0x400, $0x38;
	[tilespmem:$0x2900] =	vst v63  }
0x17: {  	_ = 	snop  }
0x18: {  	[tilespmem:s17], [sflag:$0x2] =	stream.linear.gather [hbm4b:s3+s14], $0x400, $0x38;
	[tilespmem:$0x2900] =	vst v63  }
0x19: {  	[tilespmem:$0x1400] =	vst v0  }
0x1a: {  	_ =	swait.ge [sflag:s18], $0x400  }
0x1b: {  	[sflag:s18] =	ssyncset.done $0x0  }
0x1c: {  	[sflag:s18] =	ssyncadd.s32 $0xFFFFFC00  }
0x1d: {  	_ =	swait.ge [sflag:s18], $0x400  }
0x1e: {  	s5 =	simm.s32 $0x1020;
	[sflag:s18] =	ssyncset.done $0x0  }
0x1f: {  	s6 =	simm.s32 $0x20;
	s0 =	simm.s32 $0xFFFFFFFC;
	[sflag:s18] =	ssyncadd.s32 $0xFFFFFC00  }
.LBB2_3:
0x20: {  	v1 =	vld [tilespmem:s6+$0xFFFFFFE0];
	_ =	sdelay $0x4  }
0x21: {  	(xrf1) =	vunique.msk.u32 $0xffff, v1;
	_ =	sdelay $0x6  }
0x22: {  	v2 =	vshrl.u32 v1, $0x7  }
0x23: {  	(xrf1) =	vunique.msk.u32 $0xffff, v2;
	_ =	sdelay $0x5  }
0x24: {  	v4 =	vld.idx.msk [tilespmem:v1+s15+$0x0], $0xffff;
	_, v3, vm1 =	vpop (xrf1);
	_ =	sdelay $0x4  }
0x25: {  	v3 =	vadd.s32 v4, v3  }
0x26: {  	v4 =	vadd.s32 $0xFFFFFFFF, v3;
	[tilespmem:v1+s15+$0x0] =	vst.idx.msk vm1, v3  }
0x27: {  	[tilespmem:s5+$0xFFFFFFE0] =	vst v4  }
0x28: {  	_, v1, vm1 =	vpop (xrf1);
	v3 =	vld.idx.msk [tilespmem:v2+s19+$0x0], $0xffff;
	_ =	sdelay $0x4  }
0x29: {  	v1 =	vadd.s32 v1, v3  }
0x2a: {  	[tilespmem:v2+s19+$0x0] =	vst.idx.msk vm1, v1  }
0x2b: {  	v1 =	vld [tilespmem:s6+$0xFFFFFFF0];
	_ =	sdelay $0x4  }
0x2c: {  	(xrf1) =	vunique.msk.u32 $0xffff, v1;
	_ =	sdelay $0x6  }
0x2d: {  	v2 =	vshrl.u32 v1, $0x7  }
0x2e: {  	(xrf1) =	vunique.msk.u32 $0xffff, v2;
	_ =	sdelay $0x5  }
0x2f: {  	v4 =	vld.idx.msk [tilespmem:v1+s15+$0x0], $0xffff;
	_, v3, vm1 =	vpop (xrf1);
	_ =	sdelay $0x4  }
0x30: {  	v3 =	vadd.s32 v4, v3  }
0x31: {  	v4 =	vadd.s32 $0xFFFFFFFF, v3;
	[tilespmem:v1+s15+$0x0] =	vst.idx.msk vm1, v3  }
0x32: {  	[tilespmem:s5+$0xFFFFFFF0] =	vst v4  }
0x33: {  	_, v1, vm1 =	vpop (xrf1);
	v3 =	vld.idx.msk [tilespmem:v2+s19+$0x0], $0xffff;
	_ =	sdelay $0x4  }
0x34: {  	v1 =	vadd.s32 v1, v3  }
0x35: {  	[tilespmem:v2+s19+$0x0] =	vst.idx.msk vm1, v1  }
0x36: {  	v1 =	vld [tilespmem:s6+$0x0];
	_ =	sdelay $0x4  }
0x37: {  	(xrf1) =	vunique.msk.u32 $0xffff, v1;
	_ =	sdelay $0x6  }
0x38: {  	v2 =	vshrl.u32 v1, $0x7  }
0x39: {  	(xrf1) =	vunique.msk.u32 $0xffff, v2;
	_ =	sdelay $0x5  }
0x3a: {  	v4 =	vld.idx.msk [tilespmem:v1+s15+$0x0], $0xffff;
	_, v3, vm1 =	vpop (xrf1);
	_ =	sdelay $0x4  }
0x3b: {  	v3 =	vadd.s32 v4, v3  }
0x3c: {  	v4 =	vadd.s32 $0xFFFFFFFF, v3;
	[tilespmem:v1+s15+$0x0] =	vst.idx.msk vm1, v3  }
0x3d: {  	[tilespmem:s5+$0x0] =	vst v4  }
0x3e: {  	_, v1, vm1 =	vpop (xrf1);
	v3 =	vld.idx.msk [tilespmem:v2+s19+$0x0], $0xffff;
	_ =	sdelay $0x4  }
0x3f: {  	v1 =	vadd.s32 v1, v3  }
0x40: {  	[tilespmem:v2+s19+$0x0] =	vst.idx.msk vm1, v1  }
0x41: {  	v1 =	vld [tilespmem:s6+$0x10];
	_ =	sdelay $0x4  }
0x42: {  	(xrf1) =	vunique.msk.u32 $0xffff, v1;
	_ =	sdelay $0x8  }
0x43: {  	v2 =	vshrl.u32 v1, $0x7  }
0x44: {  	(xrf1) =	vunique.msk.u32 $0xffff, v2;
	_ =	sdelay $0x3  }
0x45: {  	v4 =	vld.idx.msk [tilespmem:v1+s15+$0x0], $0xffff;
	_, v3, vm1 =	vpop (xrf1);
	_ =	sdelay $0x4  }
0x46: {  	v3 =	vadd.s32 v4, v3  }
0x47: {  	[tilespmem:v1+s15+$0x0] =	vst.idx.msk vm1, v3;
	v1 =	vadd.s32 $0xFFFFFFFF, v3;
	_ =	sdelay $0x2  }
0x48: {  	[tilespmem:s5+$0x10] =	vst v1  }
0x49: {  	s0 =	sadd.s32 $0x4, s0;
	v3 =	vld.idx.msk [tilespmem:v2+s19+$0x0], $0xffff;
	_, v1, vm1 =	vpop (xrf1)  }
0x4a: {  	p0 =	slt.u32 s0, $0x3C  }
.Ltmp1:
0x4b: {  	_ = 	snop;
	(pc) =	sbr.rel @p0 .LBB2_3-.Ltmp1, $3  }
0x4c: {  	_ =	sdelay $0x1  }
0x4d: {  	v1 =	vadd.s32 v1, v3  }
0x4e: {  	s6 =	sadd.s32 $0x40, s6;
	s5 =	sadd.s32 $0x40, s5;
	[tilespmem:v2+s19+$0x0] =	vst.idx.msk vm1, v1  }
0x4f: {  	[hbm4b:s4+s14] =	stream.linear.scatter [tilespmem:s15], [sflag:$0x3], $0x400, $0x38;
	[tilespmem:$0x2900] =	vst v63  }
0x50: {  	v1 =	vld [tilespmem:$0x1400];
	_ =	sdelay $0x4  }
0x51: {  	(xrf0) =	vadd.scan.msk.s32 $0xffff, v1;
	_ =	sdelay $0x5  }
0x52: {  	v2, _, _ =	vpop (xrf0)  }
0x53: {  	v1 =	vsub.s32 v2, v1  }
0x54: {  	v2 =	vnsel vm0, $0x400, v1;
	[tilespmem:$0x1400] =	vst v1  }
0x55: {  	[tilespmem:$0x2880] =	vst v2  }
0x56: {  	[hbm4b:s9+s14] =	stream.linear.scatter [tilespmem:s20], [sflag:$0x3], $0x80, $0x38;
	[tilespmem:$0x2900] =	vst v63  }
0x57: {  	_ =	swait.ge [sflag:s21], $0x400  }
0x58: {  	[sflag:s21] =	ssyncset.done $0x0  }
0x59: {  	[sflag:s21] =	ssyncadd.s32 $0xFFFFFC00  }
0x5a: {  	s30 =	simm.s32 $0xFFFFFFFC;
	_ =	swait.ge [sflag:s21], $0x400  }
0x5b: {  	s31 =	simm.s32 $0x820;
	s6 =	simm.s32 $0x420;
	[sflag:s21] =	ssyncset.done $0x0  }
0x5c: {  	s5 =	simm.s32 $0x1020;
	s0 =	simm.s32 $0x20;
	[sflag:s21] =	ssyncadd.s32 $0xFFFFFC00  }
.LBB2_5:
0x5d: {  	v1 =	vld [tilespmem:s0+$0xFFFFFFE0];
	_ =	sdelay $0x4  }
0x5e: {  	v2 =	vshrl.u32 v1, $0x7  }
0x5f: {  	(xrf1) =	vunique.msk.u32 $0xffff, v2;
	_ =	sdelay $0xd  }
0x60: {  	v4 =	vld.idx.msk [tilespmem:v2+s19+$0x0], $0xffff;
	_, v3, vm1 =	vpop (xrf1);
	_ =	sdelay $0x4  }
0x61: {  	v3 =	vadd.s32 v4, v3  }
0x62: {  	[tilespmem:v2+s19+$0x0] =	vst.idx.msk vm1, v3  }
0x63: {  	v2 =	vadd.s32 $0xFFFFFFFF, v3;
	v3 =	vld [tilespmem:s5+$0xFFFFFFE0];
	_ =	sdelay $0x3  }
0x64: {  	v57 =	vand.u32 $0x78, v1;
	v1 =	vshll.u32 v1, $0x7  }
0x65: {  	v1 =	vand.u32 $0x380, v1;
	[tilespmem:v2+s22+$0x0] =	vst.idx.msk $0xffff, v57;
	v5 =	vand.u32 $0xFFFFFF80, v3;
	v3 =	vand.u32 $0x7F, v3  }
0x66: {  	v1 =	vor.u32 v1, v3;
	[tilespmem:v2+s23+$0x0] =	vst.idx.msk $0xffff, v5  }
0x67: {  	[tilespmem:v2+s24+$0x0] =	vst.idx.msk $0xffff, v1  }
0x68: {  	v1 =	vld [tilespmem:s6+$0xFFFFFFE0];
	_ =	sdelay $0x4  }
0x69: {  	[tilespmem:v2+s25+$0x0] =	vst.idx.msk $0xffff, v1  }
0x6a: {  	v1 =	vld [tilespmem:s31+$0xFFFFFFE0];
	_ =	sdelay $0x4  }
0x6b: {  	[tilespmem:v2+s26+$0x0] =	vst.idx.msk $0xffff, v1  }
0x6c: {  	v1 =	vld [tilespmem:s0+$0xFFFFFFF0];
	_ =	sdelay $0x4  }
0x6d: {  	v2 =	vshrl.u32 v1, $0x7  }
0x6e: {  	(xrf1) =	vunique.msk.u32 $0xffff, v2;
	_ =	sdelay $0xd  }
0x6f: {  	v4 =	vld.idx.msk [tilespmem:v2+s19+$0x0], $0xffff;
	_, v3, vm1 =	vpop (xrf1);
	_ =	sdelay $0x4  }
0x70: {  	v3 =	vadd.s32 v4, v3  }
0x71: {  	[tilespmem:v2+s19+$0x0] =	vst.idx.msk vm1, v3  }
0x72: {  	v2 =	vadd.s32 $0xFFFFFFFF, v3;
	v3 =	vld [tilespmem:s5+$0xFFFFFFF0];
	_ =	sdelay $0x3  }
0x73: {  	v58 =	vand.u32 $0x78, v1;
	v1 =	vshll.u32 v1, $0x7  }
0x74: {  	v1 =	vand.u32 $0x380, v1;
	[tilespmem:v2+s22+$0x0] =	vst.idx.msk $0xffff, v58;
	v59 =	vand.u32 $0xFFFFFF80, v3;
	v3 =	vand.u32 $0x7F, v3  }
0x75: {  	v1 =	vor.u32 v1, v3;
	[tilespmem:v2+s23+$0x0] =	vst.idx.msk $0xffff, v59  }
0x76: {  	[tilespmem:v2+s24+$0x0] =	vst.idx.msk $0xffff, v1  }
0x77: {  	v1 =	vld [tilespmem:s6+$0xFFFFFFF0];
	_ =	sdelay $0x4  }
0x78: {  	[tilespmem:v2+s25+$0x0] =	vst.idx.msk $0xffff, v1  }
0x79: {  	v1 =	vld [tilespmem:s31+$0xFFFFFFF0];
	_ =	sdelay $0x4  }
0x7a: {  	[tilespmem:v2+s26+$0x0] =	vst.idx.msk $0xffff, v1  }
0x7b: {  	v1 =	vld [tilespmem:s0+$0x0];
	_ =	sdelay $0x4  }
0x7c: {  	v2 =	vshrl.u32 v1, $0x7  }
0x7d: {  	(xrf1) =	vunique.msk.u32 $0xffff, v2;
	_ =	sdelay $0xd  }
0x7e: {  	v4 =	vld.idx.msk [tilespmem:v2+s19+$0x0], $0xffff;
	_, v3, vm1 =	vpop (xrf1);
	_ =	sdelay $0x4  }
0x7f: {  	v3 =	vadd.s32 v4, v3  }
0x80: {  	[tilespmem:v2+s19+$0x0] =	vst.idx.msk vm1, v3  }
0x81: {  	v2 =	vadd.s32 $0xFFFFFFFF, v3;
	v3 =	vld [tilespmem:s5+$0x0];
	_ =	sdelay $0x3  }
0x82: {  	v60 =	vand.u32 $0x78, v1;
	v1 =	vshll.u32 v1, $0x7  }
0x83: {  	v1 =	vand.u32 $0x380, v1;
	[tilespmem:v2+s22+$0x0] =	vst.idx.msk $0xffff, v60;
	v61 =	vand.u32 $0xFFFFFF80, v3;
	v3 =	vand.u32 $0x7F, v3  }
0x84: {  	v1 =	vor.u32 v1, v3;
	[tilespmem:v2+s23+$0x0] =	vst.idx.msk $0xffff, v61  }
0x85: {  	[tilespmem:v2+s24+$0x0] =	vst.idx.msk $0xffff, v1  }
0x86: {  	v1 =	vld [tilespmem:s6+$0x0];
	_ =	sdelay $0x4  }
0x87: {  	[tilespmem:v2+s25+$0x0] =	vst.idx.msk $0xffff, v1  }
0x88: {  	v1 =	vld [tilespmem:s31+$0x0];
	_ =	sdelay $0x4  }
0x89: {  	[tilespmem:v2+s26+$0x0] =	vst.idx.msk $0xffff, v1  }
0x8a: {  	v1 =	vld [tilespmem:s0+$0x10];
	_ =	sdelay $0x4  }
0x8b: {  	v2 =	vshrl.u32 v1, $0x7  }
0x8c: {  	(xrf1) =	vunique.msk.u32 $0xffff, v2;
	_ =	sdelay $0xd  }
0x8d: {  	v4 =	vld.idx.msk [tilespmem:v2+s19+$0x0], $0xffff;
	_, v3, vm1 =	vpop (xrf1);
	_ =	sdelay $0x4  }
0x8e: {  	v3 =	vadd.s32 v4, v3  }
0x8f: {  	[tilespmem:v2+s19+$0x0] =	vst.idx.msk vm1, v3  }
0x90: {  	v2 =	vadd.s32 $0xFFFFFFFF, v3;
	v3 =	vld [tilespmem:s5+$0x10];
	_ =	sdelay $0x3  }
0x91: {  	v62 =	vand.u32 $0x78, v1;
	v1 =	vshll.u32 v1, $0x7  }
0x92: {  	v1 =	vand.u32 $0x380, v1;
	[tilespmem:v2+s22+$0x0] =	vst.idx.msk $0xffff, v62;
	v63 =	vand.u32 $0xFFFFFF80, v3;
	v3 =	vand.u32 $0x7F, v3  }
0x93: {  	v1 =	vor.u32 v1, v3;
	[tilespmem:v2+s23+$0x0] =	vst.idx.msk $0xffff, v63  }
0x94: {  	[tilespmem:v2+s24+$0x0] =	vst.idx.msk $0xffff, v1  }
0x95: {  	v1 =	vld [tilespmem:s6+$0x10];
	_ =	sdelay $0x4  }
0x96: {  	s30 =	sadd.s32 $0x4, s30;
	[tilespmem:v2+s25+$0x0] =	vst.idx.msk $0xffff, v1  }
0x97: {  	p0 =	slt.u32 s30, $0x3C;
	v1 =	vld [tilespmem:s31+$0x10]  }
.Ltmp2:
0x98: {  	_ = 	snop;
	(pc) =	sbr.rel @p0 .LBB2_5-.Ltmp2, $3  }
0x99: {  	_ =	sdelay $0x1  }
0x9a: {  	s0 =	sadd.s32 $0x40, s0  }
0x9b: {  	s5 =	sadd.s32 $0x40, s5;
	s6 =	sadd.s32 $0x40, s6;
	s31 =	sadd.s32 $0x40, s31;
	[tilespmem:v2+s26+$0x0] =	vst.idx.msk $0xffff, v1  }
0x9c: {  	[hbm4b:s7+s14] =	stream.linear.scatter [tilespmem:s22], [sflag:$0x3], $0x400, $0x38;
	[tilespmem:$0x2900] =	vst v63  }
0x9d: {  	_ = 	snop  }
0x9e: {  	[hbm4b:s8+s14] =	stream.linear.scatter [tilespmem:s23], [sflag:$0x3], $0x400, $0x38;
	[tilespmem:$0x2900] =	vst v63  }
0x9f: {  	_ = 	snop  }
0xa0: {  	[hbm4b:s10+s14] =	stream.linear.scatter [tilespmem:s24], [sflag:$0x3], $0x400, $0x38;
	[tilespmem:$0x2900] =	vst v63  }
0xa1: {  	_ = 	snop  }
0xa2: {  	[hbm4b:s11+s14] =	stream.linear.scatter [tilespmem:s25], [sflag:$0x3], $0x400, $0x38;
	[tilespmem:$0x2900] =	vst v63  }
0xa3: {  	_ = 	snop  }
0xa4: {  	[hbm4b:s12+s14] =	stream.linear.scatter [tilespmem:s26], [sflag:$0x3], $0x400, $0x38;
	[tilespmem:$0x2900] =	vst v63  }
0xa5: {  	_ =	swait.ge [sflag:s28], $0x400  }
0xa6: {  	[sflag:s28] =	ssyncset.done $0x0  }
0xa7: {  	[sflag:s28] =	ssyncadd.s32 $0xFFFFFC00  }
0xa8: {  	_ =	swait.ge [sflag:s28], $0x80  }
0xa9: {  	[sflag:s28] =	ssyncset.done $0x0  }
0xaa: {  	[sflag:s28] =	ssyncadd.s32 $0xFFFFFF80  }
0xab: {  	_ =	swait.ge [sflag:s28], $0x400  }
0xac: {  	[sflag:s28] =	ssyncset.done $0x0  }
0xad: {  	[sflag:s28] =	ssyncadd.s32 $0xFFFFFC00  }
0xae: {  	_ =	swait.ge [sflag:s28], $0x400  }
0xaf: {  	[sflag:s28] =	ssyncset.done $0x0  }
0xb0: {  	[sflag:s28] =	ssyncadd.s32 $0xFFFFFC00  }
0xb1: {  	_ =	swait.ge [sflag:s28], $0x400  }
0xb2: {  	[sflag:s28] =	ssyncset.done $0x0  }
0xb3: {  	s29 =	sadd.s32 $0x1, s29;
	[sflag:s28] =	ssyncadd.s32 $0xFFFFFC00  }
0xb4: {  	p0 =	sne.s32 s29, s13;
	_ =	swait.ge [sflag:s28], $0x400  }
.Ltmp3:
0xb5: {  	[sflag:s28] =	ssyncset.done $0x0;
	(pc) =	sbr.rel @p0 .LBB2_2-.Ltmp3, $4  }
0xb6: {  	[sflag:s28] =	ssyncadd.s32 $0xFFFFFC00  }
0xb7: {  	_ =	swait.ge [sflag:s28], $0x400  }
0xb8: {  	[sflag:s28] =	ssyncset.done $0x0  }
0xb9: {  	[sflag:s28] =	ssyncadd.s32 $0xFFFFFC00  }
.LBB2_7:
0xba: {  	_ =	sfence.sel $0x180000  }
0xbb: {  	[bflag:$0x0] =	sbarrier.arrive $0xFFFF  }
0xbc: {  	_ =	strace $0x90000047  }
0xbd: {  	s0 =	stileid.u32;
	[bflag:$0x2] =	sbarrier.arrive $0xFFFF  }
0xbe: {  	p0 =	sne.s32 s0, $0x0;
	s0 =	rddreg [dreg:$0x8]  }
0xbf: {  	s0 =	sadd.s32 @!p0 $0x100000, s0  }
0xc0: {  	[sflag:s0] =	ssyncadd.tile.s32 @!p0 $0x1;
	_ =	shalt  }
.Lfunc_end2:
_tile_overlayer_lowered:
.L_overlay_start_2:
0xc1: {  	(tag) =	ssettag $0x2  }
0xc2: {  	s0 =	rddreg [dreg:$0x0];
	s2 =	stileid.u32  }
0xc3: {  	s1 =	rddreg [dreg:$0x1];
	p0 =	sne.s32 s2, $0x0  }
0xc4: {  	s3 =	rddreg [dreg:$0x2];
	[bflag:$0x3] =	sbarrier.arrive $0xFFFF;
	s2 =	simm.s32 @!p0 $0x1C04  }
0xc5: {  	[timem:s3], [sflag:s2] =	dma.local @!p0 [hbm:s0], s1  }
0xc6: {  	s0 =	simm.s32 @!p0 $0x4  }
0xc7: {  	_ =	swait.ge @!p0 [sflag:s0], s1  }
0xc8: {  	s1 =	ssub.s32 @!p0 $0x0, s1;
	[sflag:s0] =	ssyncset.done @!p0 $0x0  }
0xc9: {  	[sflag:s0] =	ssyncadd.s32 @!p0 s1  }
0xca: {  	[bflag:$0x3] =	sbarrier.arrive $0xFFFF  }
0xcb: {  	_ =	shalt  }

</sc_bundles>
